<compile_context>
chip_gen: v7x
topology: tpu7x:2x2x1
jax: 0.10.2.dev20260603
libtpu: 0.0.44.dev20260713+nightly
codegen_flags: <defaults>
</compile_context>

<pallas_src>
import functools

import jax
import jax.numpy as jnp
from jax import lax
from jax.experimental import pallas as pl
from jax.experimental.pallas import tpu as pltpu
from jax.experimental.pallas import tpu_sc as plsc

_B, _S, _H, _E, _K, _V, _D, _C = 32, 2048, 1024, 16, 4, 30522, 256, 3
_VBLK = 1024
_NBLK = (_V + _VBLK - 1) // _VBLK
_VPAD = _NBLK * _VBLK
_NC, _NS, _L = 2, 16, 16


def _sc_counts_cls(ids, embed_table):
    mesh = plsc.VectorSubcoreMesh(core_axis_name="c", subcore_axis_name="s")

    @functools.partial(
        pl.kernel,
        mesh=mesh,
        compiler_params=pltpu.CompilerParams(needs_layout_passes=False),
        out_type=(
            jax.ShapeDtypeStruct((_B, _VPAD), jnp.float32),
            jax.ShapeDtypeStruct((_B, _H), jnp.float32),
        ),
        scratch_types=[
            pltpu.VMEM((_S,), jnp.int32),
            pltpu.VMEM((_VPAD,), jnp.float32),
            pltpu.VMEM((1, _H), jnp.float32),
            pltpu.SemaphoreType.DMA,
        ],
    )
    def k(ids_hbm, table_hbm, counts_hbm, cls_hbm, ids_v, counts_v, cls_v, sem):
        w = lax.axis_index("s") * _NC + lax.axis_index("c")
        pltpu.sync_copy(ids_hbm.at[w], ids_v)
        cls_dma = pltpu.async_copy(
            table_hbm.at[ids_v.at[pl.ds(0, 1)]], cls_v, sem
        )

        zero = jnp.zeros((_L,), jnp.float32)

        def zbody(i, carry):
            counts_v[pl.ds(i * _L, _L)] = zero
            return carry

        lax.fori_loop(0, _VPAD // _L, zbody, 0)

        ones = jnp.ones((_L,), jnp.float32)
        lanes = lax.iota(jnp.int32, _L)

        def body(i, carry):
            idx = ids_v[pl.ds(i * _L, _L)]
            for l in range(_L):
                plsc.addupdate_scatter(counts_v, [idx], ones, mask=lanes == l)
            return carry

        lax.fori_loop(0, _S // _L, body, 0)
        pltpu.sync_copy(counts_v, counts_hbm.at[w])
        cls_dma.wait()
        pltpu.sync_copy(cls_v, cls_hbm.at[pl.ds(w, 1)])

    return k(ids, embed_table)


def _dot(a, b):
    return jnp.dot(a, b, preferred_element_type=jnp.float32)


def _bf(x):
    return x.astype(jnp.bfloat16).astype(jnp.float32)


def _tiny_dot(a, b_ref_slice):
    kdim = a.shape[1]
    a = _bf(a)
    b = _bf(b_ref_slice)
    out = a[:, 0:1] * b[0:1, :]
    for i in range(1, kdim):
        out = out + a[:, i:i + 1] * b[i:i + 1, :]
    return out


def _fused_body(counts_ref, table_ref, cls_ref, dW, db, oW, ob, rW, rb, W1,
                b1, lng, lnb, W2, b2, pW, pb, f1W, f1b, l2g, l2b, f2W, f2b,
                out_ref, acc_ref):
    j = pl.program_id(0)

    @pl.when(j == 0)
    def _():
        acc_ref[...] = jnp.zeros_like(acc_ref)

    t = table_ref[...]
    rows = lax.broadcasted_iota(jnp.int32, t.shape, 0) + j * _VBLK
    t = jnp.where(rows < _V, t, 0.0)
    acc_ref[...] += jnp.dot(
        counts_ref[...], t,
        preferred_element_type=jnp.float32,
        precision=lax.Precision.HIGHEST,
    )

    @pl.when(j == _NBLK - 1)
    def _():
        cls = cls_ref[...]
        x = jnp.tanh(_dot(cls, dW[...]) + db[...])
        orig = _dot(x, oW[...]) + ob[...]

        rl = _dot(cls, rW[...]) + rb[...]
        colidx = lax.broadcasted_iota(jnp.int32, rl.shape, 1)
        work = rl
        selected = jnp.zeros(rl.shape, jnp.bool_)
        for _unused in range(_K):
            mx = jnp.max(work, axis=-1, keepdims=True)
            is_mx = work == mx
            first_idx = jnp.min(jnp.where(is_mx, colidx, _E), axis=-1,
                                keepdims=True)
            first = colidx == first_idx
            selected = jnp.logical_or(selected, first)
            work = jnp.where(first, -1e30, work)
        m = jnp.max(rl, axis=-1, keepdims=True)
        ex = jnp.where(selected, jnp.exp(rl - m), 0.0)
        w_rt = ex / jnp.sum(ex, axis=-1, keepdims=True)

        mean = acc_ref[...] * (1.0 / _S)
        moe = jnp.zeros((_B, _C), jnp.float32)
        inv_sqrt2 = 0.7071067811865476
        for e in range(_E):
            h1 = _dot(mean, W1[e]) + b1[e:e + 1, :]
            mu = jnp.mean(h1, axis=-1, keepdims=True)
            var = jnp.mean((h1 - mu) ** 2, axis=-1, keepdims=True)
            h1 = ((h1 - mu) / jnp.sqrt(var + 1e-5) * lng[e:e + 1, :]
                  + lnb[e:e + 1, :])
            h1 = 0.5 * h1 * (1.0 + lax.erf(h1 * inv_sqrt2))
            h2 = _dot(h1, W2[e]) + b2[e:e + 1, :]
            el = _dot(h2, pW[...]) + pb[...]
            moe = moe + w_rt[:, e:e + 1] * el

        y = _tiny_dot(orig, f1W[0:_C, :]) + _tiny_dot(moe, f1W[_C:2 * _C, :])
        y = y + f1b[...]
        mu = jnp.mean(y, axis=-1, keepdims=True)
        var = jnp.mean((y - mu) ** 2, axis=-1, keepdims=True)
        y = (y - mu) / jnp.sqrt(var + 1e-5) * l2g[...] + l2b[...]
        y = jnp.maximum(y, 0.0)
        out_ref[...] = _tiny_dot(y, f2W[...]) + f2b[...]


def _fused_tc(counts, embed_table, cls, dense_W, dense_b, out_W, out_b,
              router_W, router_b, exp_W1, exp_b1, exp_ln_g, exp_ln_b, exp_W2,
              exp_b2, proj_W, proj_b, fc1_W, fc1_b, ln2_g, ln2_b, fc2_W,
              fc2_b):
    wargs = (cls, dense_W, dense_b, out_W, out_b, router_W, router_b, exp_W1,
             exp_b1, exp_ln_g, exp_ln_b, exp_W2, exp_b2, proj_W, proj_b,
             fc1_W, fc1_b, ln2_g, ln2_b, fc2_W, fc2_b)

    def const_spec(a):
        nd = a.ndim
        return pl.BlockSpec(a.shape, lambda j, _n=nd: (0,) * _n)

    return pl.pallas_call(
        _fused_body,
        grid=(_NBLK,),
        in_specs=[
            pl.BlockSpec((_B, _VBLK), lambda j: (0, j)),
            pl.BlockSpec((_VBLK, _H), lambda j: (j, 0)),
        ] + [const_spec(a) for a in wargs],
        out_specs=pl.BlockSpec((_B, _C), lambda j: (0, 0)),
        out_shape=jax.ShapeDtypeStruct((_B, _C), jnp.float32),
        scratch_shapes=[pltpu.VMEM((_B, _H), jnp.float32)],
    )(counts, embed_table, *wargs)


def kernel(input_ids, attention_mask, embed_table, dense_W, dense_b, out_W,
           out_b, router_W, router_b, exp_W1, exp_b1, exp_ln_g, exp_ln_b,
           exp_W2, exp_b2, proj_W, proj_b, fc1_W, fc1_b, ln2_g, ln2_b,
           fc2_W, fc2_b):
    ids = input_ids.astype(jnp.int32)
    counts, cls = _sc_counts_cls(ids, embed_table)
    return _fused_tc(counts, embed_table, cls, dense_W, dense_b, out_W,
                     out_b, router_W, router_b, exp_W1, exp_b1, exp_ln_g,
                     exp_ln_b, exp_W2, exp_b2, proj_W, proj_b, fc1_W, fc1_b,
                     ln2_g, ln2_b, fc2_W, fc2_b)

# --- scband reference (transcript-rebuilt; emitter-appended) ---
"""Pipeline reference for scband-de-berta-mo-eclassifier-25374666784925 (READ-ONLY COPY).

The authoritative reference and input builder live on the scoring server;
editing this copy changes nothing except your own understanding.
"""

import jax, jax.numpy as jnp
import numpy as np

B, S, H, E, K, V, D, C = 32, 2048, 1024, 16, 4, 30522, 256, 3

def _ln(x, g, b):
    mu = jnp.mean(x, axis=-1, keepdims=True)
    var = jnp.mean((x - mu) ** 2, axis=-1, keepdims=True)
    return (x - mu) / jnp.sqrt(var + 1e-5) * g + b

def setup_inputs(seed: int = 0):
    key = jax.random.key(seed)
    ks = jax.random.split(key, 16)
    p = {}
    p['input_ids'] = jax.random.randint(ks[0], (B, S), 0, V)
    p['attention_mask'] = jnp.ones((B, S), dtype=jnp.int32)
    p['embed_table'] = jax.random.normal(ks[1], (V, H), jnp.float32) * 0.02
    p['dense_W'] = jax.random.normal(ks[2], (H, H), jnp.float32) * 0.02
    p['dense_b'] = jnp.zeros((H,), jnp.float32)
    p['out_W'] = jax.random.normal(ks[3], (H, C), jnp.float32) * 0.02
    p['out_b'] = jnp.zeros((C,), jnp.float32)
    p['router_W'] = jax.random.normal(ks[4], (H, E), jnp.float32) * 0.02
    p['router_b'] = jnp.zeros((E,), jnp.float32)
    p['exp_W1'] = jax.random.normal(ks[5], (E, H, D), jnp.float32) * 0.02
    p['exp_b1'] = jnp.zeros((E, D), jnp.float32)
    p['exp_ln_g'] = jnp.ones((E, D), jnp.float32)
    p['exp_ln_b'] = jnp.zeros((E, D), jnp.float32)
    p['exp_W2'] = jax.random.normal(ks[6], (E, D, D), jnp.float32) * 0.05
    p['exp_b2'] = jnp.zeros((E, D), jnp.float32)
    p['proj_W'] = jax.random.normal(ks[7], (D, C), jnp.float32) * 0.05
    p['proj_b'] = jnp.zeros((C,), jnp.float32)
    p['fc1_W'] = jax.random.normal(ks[8], (2 * C, C), jnp.float32) * 0.3
    p['fc1_b'] = jnp.zeros((C,), jnp.float32)
    p['ln2_g'] = jnp.ones((C,), jnp.float32)
    p['ln2_b'] = jnp.zeros((C,), jnp.float32)
    p['fc2_W'] = jax.random.normal(ks[9], (C, C), jnp.float32) * 0.3
    p['fc2_b'] = jnp.zeros((C,), jnp.float32)
    return p

def reference(input_ids, attention_mask, embed_table, dense_W, dense_b, out_W, out_b, router_W, router_b, exp_W1, exp_b1, exp_ln_g, exp_ln_b, exp_W2, exp_b2, proj_W, proj_b, fc1_W, fc1_b, ln2_g, ln2_b, fc2_W, fc2_b):
    # stand-in encoder: embedding lookup replaces pretrained BERT last_hidden_state
    hidden = jnp.take(embed_table, input_ids, axis=0)  # [B, S, H]
    cls = hidden[:, 0, :]
    # BertClassificationHead (dropout identity in eval)
    x = jnp.tanh(cls @ dense_W + dense_b)
    original_logits = x @ out_W + out_b  # [B, C]
    # DynamicMoERouter
    router_logits = cls @ router_W + router_b  # [B, E]
    all_probs = jax.nn.softmax(router_logits, axis=-1)
    top_vals, top_idx = jax.lax.top_k(router_logits, K)
    top_probs = jax.nn.softmax(top_vals, axis=-1)
    routing_weights = jnp.zeros_like(router_logits).at[jnp.arange(B)[:, None], top_idx].set(top_probs)
    # MLPExpert on mean-pooled sequence; all experts computed densely, weighted by
    # routing_weights (zero for unselected experts -> identical to the torch loop)
    mean_emb = jnp.mean(hidden, axis=1)  # [B, H]
    h1 = jnp.einsum('bh,ehd->ebd', mean_emb, exp_W1) + exp_b1[:, None, :]
    h1 = _ln(h1, exp_ln_g[:, None, :], exp_ln_b[:, None, :])
    h1 = jax.nn.gelu(h1, approximate=False)
    h2 = jnp.einsum('ebd,edf->ebf', h1, exp_W2) + exp_b2[:, None, :]
    expert_logits = jnp.einsum('ebd,dc->ebc', h2, proj_W) + proj_b  # [E, B, C]
    moe_output = jnp.einsum('be,ebc->bc', routing_weights, expert_logits)
    combined = jnp.concatenate([original_logits, moe_output], axis=1)  # [B, 2C]
    y = combined @ fc1_W + fc1_b
    y = _ln(y, ln2_g, ln2_b)
    y = jax.nn.relu(y)
    final_logits = y @ fc2_W + fc2_b
    return final_logits

if __name__ == "__main__":
    import jax
    _d = setup_inputs()
    print(jax.jit(kernel)(*tuple(_d.values())))

</pallas_src>

<mosaic_0001>
#map = affine_map<(d0, d1) -> (0, 0)>
module attributes {stable_mosaic.version = 14 : i64} {
  func.func @k(%arg0: i32, %arg1: i32, %arg2: memref<32x2048xi32, #tpu.memory_space<hbm>>, %arg3: memref<30522x1024xf32, #tpu.memory_space<hbm>>, %arg4: memref<32x30720xf32, #tpu.memory_space<hbm>>, %arg5: memref<32x1024xf32, #tpu.memory_space<hbm>>, %arg6: memref<2048xi32, #tpu.memory_space<vmem>>, %arg7: memref<30720xf32, #tpu.memory_space<vmem>>, %arg8: memref<1x1024xf32, #tpu.memory_space<vmem>>, %arg9: memref<!tpu.dma_semaphore, #tpu.memory_space<semaphore_mem>>) attributes {dimension_semantics = [#tpu.dimension_semantics<core_parallel>, #tpu.dimension_semantics<subcore_parallel>], iteration_bounds = array<i64: 2, 16>, scalar_prefetch = 0 : i64, scratch_operands = 4 : i64, tpu.core_type = #tpu.core_type<sc_vector_subcore>, window_params = [{transform_indices = #map}, {transform_indices = #map}, {transform_indices = #map}, {transform_indices = #map}]} {
    %mul3A = arith.constant 2 : i32
    %mul3A_0 = arith.muli %arg1, %mul3A : i32
    %add3A = arith.addi %mul3A_0, %arg0 : i32
    "tpu.region"() ({
      %run_scoped3A = tpu.sem_alloc : memref<!tpu.dma_semaphore, #tpu.memory_space<semaphore_mem>>
      %dma_start3A_23 = arith.constant 0 : i32
      %dma_start3A_24 = tpu.memref_slice %arg2[%add3A, %dma_start3A_23] : memref<32x2048xi32, #tpu.memory_space<hbm>> -> memref<1x2048xi32, #tpu.memory_space<hbm>>
      %dma_start3A_25 = tpu.memref_squeeze %dma_start3A_24 : memref<1x2048xi32, #tpu.memory_space<hbm>> -> memref<2048xi32, #tpu.memory_space<hbm>>
      %dma_start3A_26 = arith.constant 0 : i32
      %dma_start3A_27 = tpu.memref_slice %arg2[%add3A, %dma_start3A_26] : memref<32x2048xi32, #tpu.memory_space<hbm>> -> memref<1x2048xi32, #tpu.memory_space<hbm>>
      %dma_start3A_28 = tpu.memref_squeeze %dma_start3A_27 : memref<1x2048xi32, #tpu.memory_space<hbm>> -> memref<2048xi32, #tpu.memory_space<hbm>>
      tpu.enqueue_dma source(%dma_start3A_28 : memref<2048xi32, #tpu.memory_space<hbm>>) target(%arg6 : memref<2048xi32, #tpu.memory_space<vmem>>) target_semaphore(%run_scoped3A : memref<!tpu.dma_semaphore, #tpu.memory_space<semaphore_mem>>)
      %dma_wait3A_29 = arith.constant 0 : i32
      %dma_wait3A_30 = tpu.memref_slice %arg2[%add3A, %dma_wait3A_29] : memref<32x2048xi32, #tpu.memory_space<hbm>> -> memref<1x2048xi32, #tpu.memory_space<hbm>>
      %dma_wait3A_31 = tpu.memref_squeeze %dma_wait3A_30 : memref<1x2048xi32, #tpu.memory_space<hbm>> -> memref<2048xi32, #tpu.memory_space<hbm>>
      %dma_wait3A_32 = arith.constant 0 : i32
      %dma_wait3A_33 = tpu.memref_slice %arg2[%add3A, %dma_wait3A_32] : memref<32x2048xi32, #tpu.memory_space<hbm>> -> memref<1x2048xi32, #tpu.memory_space<hbm>>
      %dma_wait3A_34 = tpu.memref_squeeze %dma_wait3A_33 : memref<1x2048xi32, #tpu.memory_space<hbm>> -> memref<2048xi32, #tpu.memory_space<hbm>>
      tpu.wait_dma2 semaphore(%run_scoped3A : memref<!tpu.dma_semaphore, #tpu.memory_space<semaphore_mem>>) src(%dma_wait3A_34 : memref<2048xi32, #tpu.memory_space<hbm>>) dst(%arg6 : memref<2048xi32, #tpu.memory_space<vmem>>)
      tpu.yield
    }) : () -> ()
    %dma_start3A = arith.constant 0 : i32
    %dma_start3A_1 = tpu.memref_slice %arg6[%dma_start3A] : memref<2048xi32, #tpu.memory_space<vmem>> -> memref<1xi32, #tpu.memory_space<vmem>>
    %dma_start3A_2 = arith.constant 0 : i32
    %dma_start3A_3 = arith.constant 0 : i32
    %dma_start3A_4 = tpu.memref_slice %arg3[%dma_start3A_2, %dma_start3A_3] : memref<30522x1024xf32, #tpu.memory_space<hbm>> -> memref<30522x1024xf32, #tpu.memory_space<hbm>>
    tpu.enqueue_indirect_dma source(%dma_start3A_4 : memref<30522x1024xf32, #tpu.memory_space<hbm>>) target(%arg8 : memref<1x1024xf32, #tpu.memory_space<vmem>>) offsets(%dma_start3A_1 : memref<1xi32, #tpu.memory_space<vmem>>) semaphore(%arg9 : memref<!tpu.dma_semaphore, #tpu.memory_space<semaphore_mem>>)
    %broadcast_in_dim3A = arith.constant 0.000000e+00 : f32
    %broadcast_in_dim3A_5 = vector.broadcast %broadcast_in_dim3A : f32 to vector<16xf32>
    %scan3A = arith.constant 0 : i32
    %scan3A_6 = arith.constant 0 : i32
    %scan3A_7 = arith.constant 1920 : i32
    %scan3A_8 = arith.addi %scan3A_6, %scan3A_7 : i32
    %scan3A_9 = arith.constant 1 : i32
    scf.for %scan3A_23 = %scan3A_6 to %scan3A_8 step %scan3A_9  : i32 {
      %mul3A_24 = arith.constant 16 : i32
      %mul3A_25 = arith.muli %scan3A_23, %mul3A_24 : i32
      %swap3A = arith.index_cast %mul3A_25 : i32 to index
      %swap3A_26 = tpu.vector_load %arg7[%swap3A] {strides = array<i32>} : memref<30720xf32, #tpu.memory_space<vmem>>, vector<16xf32>,
      tpu.vector_store %arg7[%swap3A], %broadcast_in_dim3A_5 {strides = array<i32>} : memref<30720xf32, #tpu.memory_space<vmem>>, vector<16xf32>,
    }
    %scan3A_10 = arith.constant 1920 : i32
    %broadcast_in_dim3A_11 = arith.constant 1.000000e+00 : f32
    %broadcast_in_dim3A_12 = vector.broadcast %broadcast_in_dim3A_11 : f32 to vector<16xf32>
    %iota3A = tpu.iota {dimensions = array<i32: 0>} : vector<16xi32>
    %scan3A_13 = arith.constant 0 : i32
    %scan3A_14 = arith.constant 0 : i32
    %scan3A_15 = arith.constant 128 : i32
    %scan3A_16 = arith.addi %scan3A_14, %scan3A_15 : i32
    %scan3A_17 = arith.constant 1 : i32
    scf.for %scan3A_23 = %scan3A_14 to %scan3A_16 step %scan3A_17  : i32 {
      %mul3A_24 = arith.constant 16 : i32
      %mul3A_25 = arith.muli %scan3A_23, %mul3A_24 : i32
      %get3A = arith.index_cast %mul3A_25 : i32 to index
      %get3A_26 = tpu.vector_load %arg6[%get3A] {strides = array<i32>} : memref<2048xi32, #tpu.memory_space<vmem>>, vector<16xi32>,
      %eq3A = arith.constant 0 : i32
      %eq3A_27 = vector.broadcast %eq3A : i32 to vector<16xi32>
      %eq3A_28 = arith.cmpi eq, %iota3A, %eq3A_27 : vector<16xi32>
      tpu.vector_store_idx %arg7[%get3A_26], %broadcast_in_dim3A_12 masked %eq3A_28 {add = true} : memref<30720xf32, #tpu.memory_space<vmem>>[vector<16xi32>], vector<16xf32>, vector<16xi1>
      %eq3A_29 = arith.constant 1 : i32
      %eq3A_30 = vector.broadcast %eq3A_29 : i32 to vector<16xi32>
      %eq3A_31 = arith.cmpi eq, %iota3A, %eq3A_30 : vector<16xi32>
      tpu.vector_store_idx %arg7[%get3A_26], %broadcast_in_dim3A_12 masked %eq3A_31 {add = true} : memref<30720xf32, #tpu.memory_space<vmem>>[vector<16xi32>], vector<16xf32>, vector<16xi1>
      %eq3A_32 = arith.constant 2 : i32
      %eq3A_33 = vector.broadcast %eq3A_32 : i32 to vector<16xi32>
      %eq3A_34 = arith.cmpi eq, %iota3A, %eq3A_33 : vector<16xi32>
      tpu.vector_store_idx %arg7[%get3A_26], %broadcast_in_dim3A_12 masked %eq3A_34 {add = true} : memref<30720xf32, #tpu.memory_space<vmem>>[vector<16xi32>], vector<16xf32>, vector<16xi1>
      %eq3A_35 = arith.constant 3 : i32
      %eq3A_36 = vector.broadcast %eq3A_35 : i32 to vector<16xi32>
      %eq3A_37 = arith.cmpi eq, %iota3A, %eq3A_36 : vector<16xi32>
      tpu.vector_store_idx %arg7[%get3A_26], %broadcast_in_dim3A_12 masked %eq3A_37 {add = true} : memref<30720xf32, #tpu.memory_space<vmem>>[vector<16xi32>], vector<16xf32>, vector<16xi1>
      %eq3A_38 = arith.constant 4 : i32
      %eq3A_39 = vector.broadcast %eq3A_38 : i32 to vector<16xi32>
      %eq3A_40 = arith.cmpi eq, %iota3A, %eq3A_39 : vector<16xi32>
      tpu.vector_store_idx %arg7[%get3A_26], %broadcast_in_dim3A_12 masked %eq3A_40 {add = true} : memref<30720xf32, #tpu.memory_space<vmem>>[vector<16xi32>], vector<16xf32>, vector<16xi1>
      %eq3A_41 = arith.constant 5 : i32
      %eq3A_42 = vector.broadcast %eq3A_41 : i32 to vector<16xi32>
      %eq3A_43 = arith.cmpi eq, %iota3A, %eq3A_42 : vector<16xi32>
      tpu.vector_store_idx %arg7[%get3A_26], %broadcast_in_dim3A_12 masked %eq3A_43 {add = true} : memref<30720xf32, #tpu.memory_space<vmem>>[vector<16xi32>], vector<16xf32>, vector<16xi1>
      %eq3A_44 = arith.constant 6 : i32
      %eq3A_45 = vector.broadcast %eq3A_44 : i32 to vector<16xi32>
      %eq3A_46 = arith.cmpi eq, %iota3A, %eq3A_45 : vector<16xi32>
      tpu.vector_store_idx %arg7[%get3A_26], %broadcast_in_dim3A_12 masked %eq3A_46 {add = true} : memref<30720xf32, #tpu.memory_space<vmem>>[vector<16xi32>], vector<16xf32>, vector<16xi1>
      %eq3A_47 = arith.constant 7 : i32
      %eq3A_48 = vector.broadcast %eq3A_47 : i32 to vector<16xi32>
      %eq3A_49 = arith.cmpi eq, %iota3A, %eq3A_48 : vector<16xi32>
      tpu.vector_store_idx %arg7[%get3A_26], %broadcast_in_dim3A_12 masked %eq3A_49 {add = true} : memref<30720xf32, #tpu.memory_space<vmem>>[vector<16xi32>], vector<16xf32>, vector<16xi1>
      %eq3A_50 = arith.constant 8 : i32
      %eq3A_51 = vector.broadcast %eq3A_50 : i32 to vector<16xi32>
      %eq3A_52 = arith.cmpi eq, %iota3A, %eq3A_51 : vector<16xi32>
      tpu.vector_store_idx %arg7[%get3A_26], %broadcast_in_dim3A_12 masked %eq3A_52 {add = true} : memref<30720xf32, #tpu.memory_space<vmem>>[vector<16xi32>], vector<16xf32>, vector<16xi1>
      %eq3A_53 = arith.constant 9 : i32
      %eq3A_54 = vector.broadcast %eq3A_53 : i32 to vector<16xi32>
      %eq3A_55 = arith.cmpi eq, %iota3A, %eq3A_54 : vector<16xi32>
      tpu.vector_store_idx %arg7[%get3A_26], %broadcast_in_dim3A_12 masked %eq3A_55 {add = true} : memref<30720xf32, #tpu.memory_space<vmem>>[vector<16xi32>], vector<16xf32>, vector<16xi1>
      %eq3A_56 = arith.constant 10 : i32
      %eq3A_57 = vector.broadcast %eq3A_56 : i32 to vector<16xi32>
      %eq3A_58 = arith.cmpi eq, %iota3A, %eq3A_57 : vector<16xi32>
      tpu.vector_store_idx %arg7[%get3A_26], %broadcast_in_dim3A_12 masked %eq3A_58 {add = true} : memref<30720xf32, #tpu.memory_space<vmem>>[vector<16xi32>], vector<16xf32>, vector<16xi1>
      %eq3A_59 = arith.constant 11 : i32
      %eq3A_60 = vector.broadcast %eq3A_59 : i32 to vector<16xi32>
      %eq3A_61 = arith.cmpi eq, %iota3A, %eq3A_60 : vector<16xi32>
      tpu.vector_store_idx %arg7[%get3A_26], %broadcast_in_dim3A_12 masked %eq3A_61 {add = true} : memref<30720xf32, #tpu.memory_space<vmem>>[vector<16xi32>], vector<16xf32>, vector<16xi1>
      %eq3A_62 = arith.constant 12 : i32
      %eq3A_63 = vector.broadcast %eq3A_62 : i32 to vector<16xi32>
      %eq3A_64 = arith.cmpi eq, %iota3A, %eq3A_63 : vector<16xi32>
      tpu.vector_store_idx %arg7[%get3A_26], %broadcast_in_dim3A_12 masked %eq3A_64 {add = true} : memref<30720xf32, #tpu.memory_space<vmem>>[vector<16xi32>], vector<16xf32>, vector<16xi1>
      %eq3A_65 = arith.constant 13 : i32
      %eq3A_66 = vector.broadcast %eq3A_65 : i32 to vector<16xi32>
      %eq3A_67 = arith.cmpi eq, %iota3A, %eq3A_66 : vector<16xi32>
      tpu.vector_store_idx %arg7[%get3A_26], %broadcast_in_dim3A_12 masked %eq3A_67 {add = true} : memref<30720xf32, #tpu.memory_space<vmem>>[vector<16xi32>], vector<16xf32>, vector<16xi1>
      %eq3A_68 = arith.constant 14 : i32
      %eq3A_69 = vector.broadcast %eq3A_68 : i32 to vector<16xi32>
      %eq3A_70 = arith.cmpi eq, %iota3A, %eq3A_69 : vector<16xi32>
      tpu.vector_store_idx %arg7[%get3A_26], %broadcast_in_dim3A_12 masked %eq3A_70 {add = true} : memref<30720xf32, #tpu.memory_space<vmem>>[vector<16xi32>], vector<16xf32>, vector<16xi1>
      %eq3A_71 = arith.constant 15 : i32
      %eq3A_72 = vector.broadcast %eq3A_71 : i32 to vector<16xi32>
      %eq3A_73 = arith.cmpi eq, %iota3A, %eq3A_72 : vector<16xi32>
      tpu.vector_store_idx %arg7[%get3A_26], %broadcast_in_dim3A_12 masked %eq3A_73 {add = true} : memref<30720xf32, #tpu.memory_space<vmem>>[vector<16xi32>], vector<16xf32>, vector<16xi1>
    }
    %scan3A_18 = arith.constant 128 : i32
    "tpu.region"() ({
      %run_scoped3A = tpu.sem_alloc : memref<!tpu.dma_semaphore, #tpu.memory_space<semaphore_mem>>
      %dma_start3A_23 = arith.constant 0 : i32
      %dma_start3A_24 = tpu.memref_slice %arg4[%add3A, %dma_start3A_23] : memref<32x30720xf32, #tpu.memory_space<hbm>> -> memref<1x30720xf32, #tpu.memory_space<hbm>>
      %dma_start3A_25 = tpu.memref_squeeze %dma_start3A_24 : memref<1x30720xf32, #tpu.memory_space<hbm>> -> memref<30720xf32, #tpu.memory_space<hbm>>
      %dma_start3A_26 = arith.constant 0 : i32
      %dma_start3A_27 = tpu.memref_slice %arg4[%add3A, %dma_start3A_26] : memref<32x30720xf32, #tpu.memory_space<hbm>> -> memref<1x30720xf32, #tpu.memory_space<hbm>>
      %dma_start3A_28 = tpu.memref_squeeze %dma_start3A_27 : memref<1x30720xf32, #tpu.memory_space<hbm>> -> memref<30720xf32, #tpu.memory_space<hbm>>
      tpu.enqueue_dma source(%arg7 : memref<30720xf32, #tpu.memory_space<vmem>>) target(%dma_start3A_28 : memref<30720xf32, #tpu.memory_space<hbm>>) target_semaphore(%run_scoped3A : memref<!tpu.dma_semaphore, #tpu.memory_space<semaphore_mem>>)
      %dma_wait3A_29 = arith.constant 0 : i32
      %dma_wait3A_30 = tpu.memref_slice %arg4[%add3A, %dma_wait3A_29] : memref<32x30720xf32, #tpu.memory_space<hbm>> -> memref<1x30720xf32, #tpu.memory_space<hbm>>
      %dma_wait3A_31 = tpu.memref_squeeze %dma_wait3A_30 : memref<1x30720xf32, #tpu.memory_space<hbm>> -> memref<30720xf32, #tpu.memory_space<hbm>>
      %dma_wait3A_32 = arith.constant 0 : i32
      %dma_wait3A_33 = tpu.memref_slice %arg4[%add3A, %dma_wait3A_32] : memref<32x30720xf32, #tpu.memory_space<hbm>> -> memref<1x30720xf32, #tpu.memory_space<hbm>>
      %dma_wait3A_34 = tpu.memref_squeeze %dma_wait3A_33 : memref<1x30720xf32, #tpu.memory_space<hbm>> -> memref<30720xf32, #tpu.memory_space<hbm>>
      tpu.wait_dma2 semaphore(%run_scoped3A : memref<!tpu.dma_semaphore, #tpu.memory_space<semaphore_mem>>) src(%arg7 : memref<30720xf32, #tpu.memory_space<vmem>>) dst(%dma_wait3A_34 : memref<30720xf32, #tpu.memory_space<hbm>>)
      tpu.yield
    }) : () -> ()
    %dma_wait3A = arith.constant 0 : i32
    %dma_wait3A_19 = tpu.memref_slice %arg6[%dma_wait3A] : memref<2048xi32, #tpu.memory_space<vmem>> -> memref<1xi32, #tpu.memory_space<vmem>>
    %dma_wait3A_20 = arith.constant 0 : i32
    %dma_wait3A_21 = arith.constant 0 : i32
    %dma_wait3A_22 = tpu.memref_slice %arg3[%dma_wait3A_20, %dma_wait3A_21] : memref<30522x1024xf32, #tpu.memory_space<hbm>> -> memref<30522x1024xf32, #tpu.memory_space<hbm>>
    tpu.wait_indirect_dma semaphore(%arg9 : memref<!tpu.dma_semaphore, #tpu.memory_space<semaphore_mem>>) src(%dma_wait3A_22 : memref<30522x1024xf32, #tpu.memory_space<hbm>>) dst(%arg8 : memref<1x1024xf32, #tpu.memory_space<vmem>>)
    "tpu.region"() ({
      %run_scoped3A = tpu.sem_alloc : memref<!tpu.dma_semaphore, #tpu.memory_space<semaphore_mem>>
      %dma_start3A_23 = arith.constant 0 : i32
      %dma_start3A_24 = tpu.memref_slice %arg5[%add3A, %dma_start3A_23] : memref<32x1024xf32, #tpu.memory_space<hbm>> -> memref<1x1024xf32, #tpu.memory_space<hbm>>
      %dma_start3A_25 = arith.constant 0 : i32
      %dma_start3A_26 = tpu.memref_slice %arg5[%add3A, %dma_start3A_25] : memref<32x1024xf32, #tpu.memory_space<hbm>> -> memref<1x1024xf32, #tpu.memory_space<hbm>>
      tpu.enqueue_dma source(%arg8 : memref<1x1024xf32, #tpu.memory_space<vmem>>) target(%dma_start3A_26 : memref<1x1024xf32, #tpu.memory_space<hbm>>) target_semaphore(%run_scoped3A : memref<!tpu.dma_semaphore, #tpu.memory_space<semaphore_mem>>)
      %dma_wait3A_27 = arith.constant 0 : i32
      %dma_wait3A_28 = tpu.memref_slice %arg5[%add3A, %dma_wait3A_27] : memref<32x1024xf32, #tpu.memory_space<hbm>> -> memref<1x1024xf32, #tpu.memory_space<hbm>>
      %dma_wait3A_29 = arith.constant 0 : i32
      %dma_wait3A_30 = tpu.memref_slice %arg5[%add3A, %dma_wait3A_29] : memref<32x1024xf32, #tpu.memory_space<hbm>> -> memref<1x1024xf32, #tpu.memory_space<hbm>>
      tpu.wait_dma2 semaphore(%run_scoped3A : memref<!tpu.dma_semaphore, #tpu.memory_space<semaphore_mem>>) src(%arg8 : memref<1x1024xf32, #tpu.memory_space<vmem>>) dst(%dma_wait3A_30 : memref<1x1024xf32, #tpu.memory_space<hbm>>)
      tpu.yield
    }) : () -> ()
    return
  }
}

module attributes {stable_mosaic.version = 14 : i64} {
  func.func @_fused_body(%arg0: i32, %arg1: memref<32x1024xf32, #tpu.memory_space<vmem>>, %arg2: memref<1024x1024xf32, #tpu.memory_space<vmem>>, %arg3: memref<32x1024xf32, #tpu.memory_space<vmem>>, %arg4: memref<1024x1024xf32, #tpu.memory_space<vmem>>, %arg5: memref<1024xf32, #tpu.memory_space<vmem>>, %arg6: memref<1024x3xf32, #tpu.memory_space<vmem>>, %arg7: memref<3xf32, #tpu.memory_space<vmem>>, %arg8: memref<1024x16xf32, #tpu.memory_space<vmem>>, %arg9: memref<16xf32, #tpu.memory_space<vmem>>, %arg10: memref<16x1024x256xf32, #tpu.memory_space<vmem>>, %arg11: memref<16x256xf32, #tpu.memory_space<vmem>>, %arg12: memref<16x256xf32, #tpu.memory_space<vmem>>, %arg13: memref<16x256xf32, #tpu.memory_space<vmem>>, %arg14: memref<16x256x256xf32, #tpu.memory_space<vmem>>, %arg15: memref<16x256xf32, #tpu.memory_space<vmem>>, %arg16: memref<256x3xf32, #tpu.memory_space<vmem>>, %arg17: memref<3xf32, #tpu.memory_space<vmem>>, %arg18: memref<6x3xf32, #tpu.memory_space<vmem>>, %arg19: memref<3xf32, #tpu.memory_space<vmem>>, %arg20: memref<3xf32, #tpu.memory_space<vmem>>, %arg21: memref<3xf32, #tpu.memory_space<vmem>>, %arg22: memref<3x3xf32, #tpu.memory_space<vmem>>, %arg23: memref<3xf32, #tpu.memory_space<vmem>>, %arg24: memref<32x3xf32, #tpu.memory_space<vmem>>, %arg25: memref<32x1024xf32, #tpu.memory_space<vmem>>) attributes {dimension_semantics = [#tpu.dimension_semantics<arbitrary>], iteration_bounds = array<i64: 30>, scalar_prefetch = 0 : i64, scratch_operands = 1 : i64, tpu.core_type = #tpu.core_type<tc>, window_params = [{transform_indices = @transform_0, window_bounds = array<i64: 32, 1024>}, {transform_indices = @transform_1, window_bounds = array<i64: 1024, 1024>}, {pipeline_mode = #tpu.pipeline_mode<synchronous>, transform_indices = @transform_2, window_bounds = array<i64: 32, 1024>}, {pipeline_mode = #tpu.pipeline_mode<synchronous>, transform_indices = @transform_3, window_bounds = array<i64: 1024, 1024>}, {pipeline_mode = #tpu.pipeline_mode<synchronous>, transform_indices = @transform_4, window_bounds = array<i64: 1024>}, {pipeline_mode = #tpu.pipeline_mode<synchronous>, transform_indices = @transform_5, window_bounds = array<i64: 1024, 3>}, {pipeline_mode = #tpu.pipeline_mode<synchronous>, transform_indices = @transform_6, window_bounds = array<i64: 3>}, {pipeline_mode = #tpu.pipeline_mode<synchronous>, transform_indices = @transform_7, window_bounds = array<i64: 1024, 16>}, {pipeline_mode = #tpu.pipeline_mode<synchronous>, transform_indices = @transform_8, window_bounds = array<i64: 16>}, {pipeline_mode = #tpu.pipeline_mode<synchronous>, transform_indices = @transform_9, window_bounds = array<i64: 16, 1024, 256>}, {pipeline_mode = #tpu.pipeline_mode<synchronous>, transform_indices = @transform_10, window_bounds = array<i64: 16, 256>}, {pipeline_mode = #tpu.pipeline_mode<synchronous>, transform_indices = @transform_11, window_bounds = array<i64: 16, 256>}, {pipeline_mode = #tpu.pipeline_mode<synchronous>, transform_indices = @transform_12, window_bounds = array<i64: 16, 256>}, {pipeline_mode = #tpu.pipeline_mode<synchronous>, transform_indices = @transform_13, window_bounds = array<i64: 16, 256, 256>}, {pipeline_mode = #tpu.pipeline_mode<synchronous>, transform_indices = @transform_14, window_bounds = array<i64: 16, 256>}, {pipeline_mode = #tpu.pipeline_mode<synchronous>, transform_indices = @transform_15, window_bounds = array<i64: 256, 3>}, {pipeline_mode = #tpu.pipeline_mode<synchronous>, transform_indices = @transform_16, window_bounds = array<i64: 3>}, {pipeline_mode = #tpu.pipeline_mode<synchronous>, transform_indices = @transform_17, window_bounds = array<i64: 6, 3>}, {pipeline_mode = #tpu.pipeline_mode<synchronous>, transform_indices = @transform_18, window_bounds = array<i64: 3>}, {pipeline_mode = #tpu.pipeline_mode<synchronous>, transform_indices = @transform_19, window_bounds = array<i64: 3>}, {pipeline_mode = #tpu.pipeline_mode<synchronous>, transform_indices = @transform_20, window_bounds = array<i64: 3>}, {pipeline_mode = #tpu.pipeline_mode<synchronous>, transform_indices = @transform_21, window_bounds = array<i64: 3, 3>}, {pipeline_mode = #tpu.pipeline_mode<synchronous>, transform_indices = @transform_22, window_bounds = array<i64: 3>}, {pipeline_mode = #tpu.pipeline_mode<synchronous>, transform_indices = @transform_23, window_bounds = array<i64: 32, 3>}]} {
    %eq3A = arith.constant 0 : i32
    %eq3A_0 = arith.cmpi eq, %arg0, %eq3A : i32
    %convert_element_type3A = arith.extui %eq3A_0 : i1 to i32
    %cond3A = arith.constant 0 : i32
    %cond3A_1 = arith.cmpi ne, %convert_element_type3A, %cond3A : i32
    scf.if %cond3A_1 {
      %broadcast_in_dim3A_23 = arith.constant 0.000000e+00 : f32
      %broadcast_in_dim3A_24 = vector.broadcast %broadcast_in_dim3A_23 : f32 to vector<32x1024xf32>
      %swap3A_25 = arith.constant 0 : index
      %swap3A_26 = arith.constant 0 : index
      %swap3A_27 = vector.load %arg25[%swap3A_25, %swap3A_26] : memref<32x1024xf32, #tpu.memory_space<vmem>>, vector<32x1024xf32>
      tpu.vector_store %arg25[%swap3A_25, %swap3A_26], %broadcast_in_dim3A_24 {strides = array<i32>} : memref<32x1024xf32, #tpu.memory_space<vmem>>, vector<32x1024xf32>,
    } else {
    }
    %get3A = arith.constant 0 : index
    %get3A_2 = arith.constant 0 : index
    %get3A_3 = vector.load %arg2[%get3A, %get3A_2] : memref<1024x1024xf32, #tpu.memory_space<vmem>>, vector<1024x1024xf32>
    %iota3A = tpu.iota {dimensions = array<i32: 0>} : vector<1024x1024xi32>
    %mul3A = arith.constant 1024 : i32
    %mul3A_4 = arith.muli %arg0, %mul3A : i32
    %add3A = vector.broadcast %mul3A_4 : i32 to vector<1024x1024xi32>
    %add3A_5 = arith.addi %iota3A, %add3A : vector<1024x1024xi32>
    %lt3A = arith.constant 30522 : i32
    %lt3A_6 = vector.broadcast %lt3A : i32 to vector<1024x1024xi32>
    %lt3A_7 = arith.cmpi slt, %add3A_5, %lt3A_6 : vector<1024x1024xi32>
    %jit3A = arith.constant 0.000000e+00 : f32
    %broadcast_in_dim3A = vector.broadcast %jit3A : f32 to vector<1024x1024xf32>
    %select_n3A = arith.select %lt3A_7, %get3A_3, %broadcast_in_dim3A : vector<1024x1024xi1>, vector<1024x1024xf32>
    %get3A_8 = arith.constant 0 : index
    %get3A_9 = arith.constant 0 : index
    %get3A_10 = vector.load %arg25[%get3A_8, %get3A_9] : memref<32x1024xf32, #tpu.memory_space<vmem>>, vector<32x1024xf32>
    %get3A_11 = arith.constant 0 : index
    %get3A_12 = arith.constant 0 : index
    %get3A_13 = vector.load %arg1[%get3A_11, %get3A_12] : memref<32x1024xf32, #tpu.memory_space<vmem>>, vector<32x1024xf32>
    %dot_general3A = arith.constant dense<0.000000e+00> : vector<32x1024xf32>
    %dot_general3A_14 = tpu.matmul %get3A_13, %select_n3A, %dot_general3A {dimension_numbers = #tpu.dot_dimension_numbers<[1], [0], [0], [1], [0, 0, 1, 1], [], []>, precision = #tpu.contract_precision<fp32>, transpose_lhs_hint = false} : vector<32x1024xf32>, vector<1024x1024xf32>, vector<32x1024xf32> -> vector<32x1024xf32>
    %add3A_15 = arith.addf %get3A_10, %dot_general3A_14 : vector<32x1024xf32>
    %swap3A = arith.constant 0 : index
    %swap3A_16 = arith.constant 0 : index
    %swap3A_17 = vector.load %arg25[%swap3A, %swap3A_16] : memref<32x1024xf32, #tpu.memory_space<vmem>>, vector<32x1024xf32>
    tpu.vector_store %arg25[%swap3A, %swap3A_16], %add3A_15 {strides = array<i32>} : memref<32x1024xf32, #tpu.memory_space<vmem>>, vector<32x1024xf32>,
    %eq3A_18 = arith.constant 29 : i32
    %eq3A_19 = arith.cmpi eq, %arg0, %eq3A_18 : i32
    %convert_element_type3A_20 = arith.extui %eq3A_19 : i1 to i32
    %cond3A_21 = arith.constant 0 : i32
    %cond3A_22 = arith.cmpi ne, %convert_element_type3A_20, %cond3A_21 : i32
    scf.if %cond3A_22 {
      %get3A_23 = arith.constant 0 : index
      %get3A_24 = arith.constant 0 : index
      %get3A_25 = vector.load %arg3[%get3A_23, %get3A_24] : memref<32x1024xf32, #tpu.memory_space<vmem>>, vector<32x1024xf32>
      %get3A_26 = arith.constant 0 : index
      %get3A_27 = arith.constant 0 : index
      %get3A_28 = vector.load %arg4[%get3A_26, %get3A_27] : memref<1024x1024xf32, #tpu.memory_space<vmem>>, vector<1024x1024xf32>
      %dot_general3A_29 = arith.constant dense<0.000000e+00> : vector<32x1024xf32>
      %dot_general3A_30 = tpu.matmul %get3A_25, %get3A_28, %dot_general3A_29 {dimension_numbers = #tpu.dot_dimension_numbers<[1], [0], [0], [1], [0, 0, 1, 1], [], []>, transpose_lhs_hint = false} : vector<32x1024xf32>, vector<1024x1024xf32>, vector<32x1024xf32> -> vector<32x1024xf32>
      %get3A_31 = arith.constant 0 : index
      %get3A_32 = vector.load %arg5[%get3A_31] : memref<1024xf32, #tpu.memory_space<vmem>>, vector<1024xf32>
      %broadcast_in_dim3A_33 = vector.shape_cast %get3A_32 : vector<1024xf32> to vector<1x1024xf32>
      %add3A_34 = vector.broadcast %broadcast_in_dim3A_33 : vector<1x1024xf32> to vector<32x1024xf32>
      %add3A_35 = arith.addf %dot_general3A_30, %add3A_34 : vector<32x1024xf32>
      %tanh3A = math.tanh %add3A_35 : vector<32x1024xf32>
      %get3A_36 = arith.constant 0 : index
      %get3A_37 = arith.constant 0 : index
      %get3A_38 = vector.load %arg6[%get3A_36, %get3A_37] : memref<1024x3xf32, #tpu.memory_space<vmem>>, vector<1024x3xf32>
      %dot_general3A_39 = arith.constant dense<0.000000e+00> : vector<32x3xf32>
      %dot_general3A_40 = tpu.matmul %tanh3A, %get3A_38, %dot_general3A_39 {dimension_numbers = #tpu.dot_dimension_numbers<[1], [0], [0], [1], [0, 0, 1, 1], [], []>, transpose_lhs_hint = false} : vector<32x1024xf32>, vector<1024x3xf32>, vector<32x3xf32> -> vector<32x3xf32>
      %get3A_41 = arith.constant 0 : index
      %get3A_42 = vector.load %arg7[%get3A_41] : memref<3xf32, #tpu.memory_space<vmem>>, vector<3xf32>
      %broadcast_in_dim3A_43 = vector.shape_cast %get3A_42 : vector<3xf32> to vector<1x3xf32>
      %add3A_44 = vector.broadcast %broadcast_in_dim3A_43 : vector<1x3xf32> to vector<32x3xf32>
      %add3A_45 = arith.addf %dot_general3A_40, %add3A_44 : vector<32x3xf32>
      %get3A_46 = arith.constant 0 : index
      %get3A_47 = arith.constant 0 : index
      %get3A_48 = vector.load %arg8[%get3A_46, %get3A_47] : memref<1024x16xf32, #tpu.memory_space<vmem>>, vector<1024x16xf32>
      %dot_general3A_49 = arith.constant dense<0.000000e+00> : vector<32x16xf32>
      %dot_general3A_50 = tpu.matmul %get3A_25, %get3A_48, %dot_general3A_49 {dimension_numbers = #tpu.dot_dimension_numbers<[1], [0], [0], [1], [0, 0, 1, 1], [], []>, transpose_lhs_hint = false} : vector<32x1024xf32>, vector<1024x16xf32>, vector<32x16xf32> -> vector<32x16xf32>
      %get3A_51 = arith.constant 0 : index
      %get3A_52 = vector.load %arg9[%get3A_51] : memref<16xf32, #tpu.memory_space<vmem>>, vector<16xf32>
      %broadcast_in_dim3A_53 = vector.shape_cast %get3A_52 : vector<16xf32> to vector<1x16xf32>
      %add3A_54 = vector.broadcast %broadcast_in_dim3A_53 : vector<1x16xf32> to vector<32x16xf32>
      %add3A_55 = arith.addf %dot_general3A_50, %add3A_54 : vector<32x16xf32>
      %iota3A_56 = tpu.iota {dimensions = array<i32: 1>} : vector<32x16xi32>
      %broadcast_in_dim3A_57 = arith.constant false
      %broadcast_in_dim3A_58 = vector.broadcast %broadcast_in_dim3A_57 : i1 to vector<32x16xi1>
      %reduce_max3A = arith.constant dense<0xFF800000> : vector<32xf32>
      %reduce_max3A_59 = vector.multi_reduction <maximumf>, %add3A_55, %reduce_max3A [1] : vector<32x16xf32> to vector<32xf32>
      %broadcast_in_dim3A_60 = vector.shape_cast %reduce_max3A_59 : vector<32xf32> to vector<32x1xf32>
      %eq3A_61 = vector.broadcast %broadcast_in_dim3A_60 : vector<32x1xf32> to vector<32x16xf32>
      %eq3A_62 = arith.cmpf oeq, %add3A_55, %eq3A_61 : vector<32x16xf32>
      %jit3A_63 = arith.constant 16 : i32
      %broadcast_in_dim3A_64 = vector.broadcast %jit3A_63 : i32 to vector<32x16xi32>
      %select_n3A_65 = arith.select %eq3A_62, %iota3A_56, %broadcast_in_dim3A_64 : vector<32x16xi1>, vector<32x16xi32>
      %reduce_min3A = arith.constant dense<2147483647> : vector<32xi32>
      %reduce_min3A_66 = vector.multi_reduction <minsi>, %select_n3A_65, %reduce_min3A [1] : vector<32x16xi32> to vector<32xi32>
      %broadcast_in_dim3A_67 = vector.shape_cast %reduce_min3A_66 : vector<32xi32> to vector<32x1xi32>
      %eq3A_68 = vector.broadcast %broadcast_in_dim3A_67 : vector<32x1xi32> to vector<32x16xi32>
      %eq3A_69 = arith.cmpi eq, %iota3A_56, %eq3A_68 : vector<32x16xi32>
      %or3A = arith.ori %broadcast_in_dim3A_58, %eq3A_69 : vector<32x16xi1>
      %jit3A_70 = arith.constant -1.000000e+30 : f32
      %broadcast_in_dim3A_71 = vector.broadcast %jit3A_70 : f32 to vector<32x16xf32>
      %select_n3A_72 = arith.select %eq3A_69, %broadcast_in_dim3A_71, %add3A_55 : vector<32x16xi1>, vector<32x16xf32>
      %reduce_max3A_73 = arith.constant dense<0xFF800000> : vector<32xf32>
      %reduce_max3A_74 = vector.multi_reduction <maximumf>, %select_n3A_72, %reduce_max3A_73 [1] : vector<32x16xf32> to vector<32xf32>
      %broadcast_in_dim3A_75 = vector.shape_cast %reduce_max3A_74 : vector<32xf32> to vector<32x1xf32>
      %eq3A_76 = vector.broadcast %broadcast_in_dim3A_75 : vector<32x1xf32> to vector<32x16xf32>
      %eq3A_77 = arith.cmpf oeq, %select_n3A_72, %eq3A_76 : vector<32x16xf32>
      %jit3A_78 = arith.constant 16 : i32
      %broadcast_in_dim3A_79 = vector.broadcast %jit3A_78 : i32 to vector<32x16xi32>
      %select_n3A_80 = arith.select %eq3A_77, %iota3A_56, %broadcast_in_dim3A_79 : vector<32x16xi1>, vector<32x16xi32>
      %reduce_min3A_81 = arith.constant dense<2147483647> : vector<32xi32>
      %reduce_min3A_82 = vector.multi_reduction <minsi>, %select_n3A_80, %reduce_min3A_81 [1] : vector<32x16xi32> to vector<32xi32>
      %broadcast_in_dim3A_83 = vector.shape_cast %reduce_min3A_82 : vector<32xi32> to vector<32x1xi32>
      %eq3A_84 = vector.broadcast %broadcast_in_dim3A_83 : vector<32x1xi32> to vector<32x16xi32>
      %eq3A_85 = arith.cmpi eq, %iota3A_56, %eq3A_84 : vector<32x16xi32>
      %or3A_86 = arith.ori %or3A, %eq3A_85 : vector<32x16xi1>
      %jit3A_87 = arith.constant -1.000000e+30 : f32
      %broadcast_in_dim3A_88 = vector.broadcast %jit3A_87 : f32 to vector<32x16xf32>
      %select_n3A_89 = arith.select %eq3A_85, %broadcast_in_dim3A_88, %select_n3A_72 : vector<32x16xi1>, vector<32x16xf32>
      %reduce_max3A_90 = arith.constant dense<0xFF800000> : vector<32xf32>
      %reduce_max3A_91 = vector.multi_reduction <maximumf>, %select_n3A_89, %reduce_max3A_90 [1] : vector<32x16xf32> to vector<32xf32>
      %broadcast_in_dim3A_92 = vector.shape_cast %reduce_max3A_91 : vector<32xf32> to vector<32x1xf32>
      %eq3A_93 = vector.broadcast %broadcast_in_dim3A_92 : vector<32x1xf32> to vector<32x16xf32>
      %eq3A_94 = arith.cmpf oeq, %select_n3A_89, %eq3A_93 : vector<32x16xf32>
      %jit3A_95 = arith.constant 16 : i32
      %broadcast_in_dim3A_96 = vector.broadcast %jit3A_95 : i32 to vector<32x16xi32>
      %select_n3A_97 = arith.select %eq3A_94, %iota3A_56, %broadcast_in_dim3A_96 : vector<32x16xi1>, vector<32x16xi32>
      %reduce_min3A_98 = arith.constant dense<2147483647> : vector<32xi32>
      %reduce_min3A_99 = vector.multi_reduction <minsi>, %select_n3A_97, %reduce_min3A_98 [1] : vector<32x16xi32> to vector<32xi32>
      %broadcast_in_dim3A_100 = vector.shape_cast %reduce_min3A_99 : vector<32xi32> to vector<32x1xi32>
      %eq3A_101 = vector.broadcast %broadcast_in_dim3A_100 : vector<32x1xi32> to vector<32x16xi32>
      %eq3A_102 = arith.cmpi eq, %iota3A_56, %eq3A_101 : vector<32x16xi32>
      %or3A_103 = arith.ori %or3A_86, %eq3A_102 : vector<32x16xi1>
      %jit3A_104 = arith.constant -1.000000e+30 : f32
      %broadcast_in_dim3A_105 = vector.broadcast %jit3A_104 : f32 to vector<32x16xf32>
      %select_n3A_106 = arith.select %eq3A_102, %broadcast_in_dim3A_105, %select_n3A_89 : vector<32x16xi1>, vector<32x16xf32>
      %reduce_max3A_107 = arith.constant dense<0xFF800000> : vector<32xf32>
      %reduce_max3A_108 = vector.multi_reduction <maximumf>, %select_n3A_106, %reduce_max3A_107 [1] : vector<32x16xf32> to vector<32xf32>
      %broadcast_in_dim3A_109 = vector.shape_cast %reduce_max3A_108 : vector<32xf32> to vector<32x1xf32>
      %eq3A_110 = vector.broadcast %broadcast_in_dim3A_109 : vector<32x1xf32> to vector<32x16xf32>
      %eq3A_111 = arith.cmpf oeq, %select_n3A_106, %eq3A_110 : vector<32x16xf32>
      %jit3A_112 = arith.constant 16 : i32
      %broadcast_in_dim3A_113 = vector.broadcast %jit3A_112 : i32 to vector<32x16xi32>
      %select_n3A_114 = arith.select %eq3A_111, %iota3A_56, %broadcast_in_dim3A_113 : vector<32x16xi1>, vector<32x16xi32>
      %reduce_min3A_115 = arith.constant dense<2147483647> : vector<32xi32>
      %reduce_min3A_116 = vector.multi_reduction <minsi>, %select_n3A_114, %reduce_min3A_115 [1] : vector<32x16xi32> to vector<32xi32>
      %broadcast_in_dim3A_117 = vector.shape_cast %reduce_min3A_116 : vector<32xi32> to vector<32x1xi32>
      %eq3A_118 = vector.broadcast %broadcast_in_dim3A_117 : vector<32x1xi32> to vector<32x16xi32>
      %eq3A_119 = arith.cmpi eq, %iota3A_56, %eq3A_118 : vector<32x16xi32>
      %or3A_120 = arith.ori %or3A_103, %eq3A_119 : vector<32x16xi1>
      %reduce_max3A_121 = arith.constant dense<0xFF800000> : vector<32xf32>
      %reduce_max3A_122 = vector.multi_reduction <maximumf>, %add3A_55, %reduce_max3A_121 [1] : vector<32x16xf32> to vector<32xf32>
      %broadcast_in_dim3A_123 = vector.shape_cast %reduce_max3A_122 : vector<32xf32> to vector<32x1xf32>
      %sub3A = vector.broadcast %broadcast_in_dim3A_123 : vector<32x1xf32> to vector<32x16xf32>
      %sub3A_124 = arith.subf %add3A_55, %sub3A : vector<32x16xf32>
      %exp3A = math.exp %sub3A_124 : vector<32x16xf32>
      %jit3A_125 = arith.constant 0.000000e+00 : f32
      %broadcast_in_dim3A_126 = vector.broadcast %jit3A_125 : f32 to vector<32x16xf32>
      %select_n3A_127 = arith.select %or3A_120, %exp3A, %broadcast_in_dim3A_126 : vector<32x16xi1>, vector<32x16xf32>
      %reduce_sum3A = arith.constant dense<0.000000e+00> : vector<32xf32>
      %reduce_sum3A_128 = vector.multi_reduction <add>, %select_n3A_127, %reduce_sum3A [1] : vector<32x16xf32> to vector<32xf32>
      %broadcast_in_dim3A_129 = vector.shape_cast %reduce_sum3A_128 : vector<32xf32> to vector<32x1xf32>
      %div3A = vector.broadcast %broadcast_in_dim3A_129 : vector<32x1xf32> to vector<32x16xf32>
      %div3A_130 = arith.divf %select_n3A_127, %div3A : vector<32x16xf32>
      %get3A_131 = arith.constant 0 : index
      %get3A_132 = arith.constant 0 : index
      %get3A_133 = vector.load %arg25[%get3A_131, %get3A_132] : memref<32x1024xf32, #tpu.memory_space<vmem>>, vector<32x1024xf32>
      %mul3A_134 = arith.constant 4.8828125E-4 : f32
      %mul3A_135 = vector.broadcast %mul3A_134 : f32 to vector<32x1024xf32>
      %mul3A_136 = arith.mulf %get3A_133, %mul3A_135 : vector<32x1024xf32>
      %broadcast_in_dim3A_137 = arith.constant 0.000000e+00 : f32
      %broadcast_in_dim3A_138 = vector.broadcast %broadcast_in_dim3A_137 : f32 to vector<32x3xf32>
      %get3A_139 = arith.constant 0 : index
      %get3A_140 = arith.constant 0 : index
      %get3A_141 = arith.constant 0 : index
      %get3A_142 = vector.load %arg10[%get3A_139, %get3A_140, %get3A_141] : memref<16x1024x256xf32, #tpu.memory_space<vmem>>, vector<1x1024x256xf32>
      %get3A_143 = vector.shape_cast %get3A_142 : vector<1x1024x256xf32> to vector<1024x256xf32>
      %dot_general3A_144 = arith.constant dense<0.000000e+00> : vector<32x256xf32>
      %dot_general3A_145 = tpu.matmul %mul3A_136, %get3A_143, %dot_general3A_144 {dimension_numbers = #tpu.dot_dimension_numbers<[1], [0], [0], [1], [0, 0, 1, 1], [], []>, transpose_lhs_hint = false} : vector<32x1024xf32>, vector<1024x256xf32>, vector<32x256xf32> -> vector<32x256xf32>
      %get3A_146 = arith.constant 0 : index
      %get3A_147 = arith.constant 0 : index
      %get3A_148 = vector.load %arg11[%get3A_146, %get3A_147] : memref<16x256xf32, #tpu.memory_space<vmem>>, vector<1x256xf32>
      %add3A_149 = vector.broadcast %get3A_148 : vector<1x256xf32> to vector<32x256xf32>
      %add3A_150 = arith.addf %dot_general3A_145, %add3A_149 : vector<32x256xf32>
      %reduce_sum3A_151 = arith.constant dense<0.000000e+00> : vector<32xf32>
      %reduce_sum3A_152 = vector.multi_reduction <add>, %add3A_150, %reduce_sum3A_151 [1] : vector<32x256xf32> to vector<32xf32>
      %broadcast_in_dim3A_153 = vector.shape_cast %reduce_sum3A_152 : vector<32xf32> to vector<32x1xf32>
      %div3A_154 = arith.constant 2.560000e+02 : f32
      %div3A_155 = vector.broadcast %div3A_154 : f32 to vector<32x1xf32>
      %div3A_156 = arith.divf %broadcast_in_dim3A_153, %div3A_155 : vector<32x1xf32>
      %sub3A_157 = vector.broadcast %div3A_156 : vector<32x1xf32> to vector<32x256xf32>
      %sub3A_158 = arith.subf %add3A_150, %sub3A_157 : vector<32x256xf32>
      %integer_pow3A = arith.mulf %sub3A_158, %sub3A_158 : vector<32x256xf32>
      %reduce_sum3A_159 = arith.constant dense<0.000000e+00> : vector<32xf32>
      %reduce_sum3A_160 = vector.multi_reduction <add>, %integer_pow3A, %reduce_sum3A_159 [1] : vector<32x256xf32> to vector<32xf32>
      %broadcast_in_dim3A_161 = vector.shape_cast %reduce_sum3A_160 : vector<32xf32> to vector<32x1xf32>
      %div3A_162 = arith.constant 2.560000e+02 : f32
      %div3A_163 = vector.broadcast %div3A_162 : f32 to vector<32x1xf32>
      %div3A_164 = arith.divf %broadcast_in_dim3A_161, %div3A_163 : vector<32x1xf32>
      %sub3A_165 = vector.broadcast %div3A_156 : vector<32x1xf32> to vector<32x256xf32>
      %sub3A_166 = arith.subf %add3A_150, %sub3A_165 : vector<32x256xf32>
      %add3A_167 = arith.constant 9.99999974E-6 : f32
      %add3A_168 = vector.broadcast %add3A_167 : f32 to vector<32x1xf32>
      %add3A_169 = arith.addf %div3A_164, %add3A_168 : vector<32x1xf32>
      %sqrt3A = math.sqrt %add3A_169 : vector<32x1xf32>
      %div3A_170 = vector.broadcast %sqrt3A : vector<32x1xf32> to vector<32x256xf32>
      %div3A_171 = arith.divf %sub3A_166, %div3A_170 : vector<32x256xf32>
      %get3A_172 = arith.constant 0 : index
      %get3A_173 = arith.constant 0 : index
      %get3A_174 = vector.load %arg12[%get3A_172, %get3A_173] : memref<16x256xf32, #tpu.memory_space<vmem>>, vector<1x256xf32>
      %mul3A_175 = vector.broadcast %get3A_174 : vector<1x256xf32> to vector<32x256xf32>
      %mul3A_176 = arith.mulf %div3A_171, %mul3A_175 : vector<32x256xf32>
      %get3A_177 = arith.constant 0 : index
      %get3A_178 = arith.constant 0 : index
      %get3A_179 = vector.load %arg13[%get3A_177, %get3A_178] : memref<16x256xf32, #tpu.memory_space<vmem>>, vector<1x256xf32>
      %add3A_180 = vector.broadcast %get3A_179 : vector<1x256xf32> to vector<32x256xf32>
      %add3A_181 = arith.addf %mul3A_176, %add3A_180 : vector<32x256xf32>
      %mul3A_182 = arith.constant 5.000000e-01 : f32
      %mul3A_183 = vector.broadcast %mul3A_182 : f32 to vector<32x256xf32>
      %mul3A_184 = arith.mulf %mul3A_183, %add3A_181 : vector<32x256xf32>
      %mul3A_185 = arith.constant 0.707106769 : f32
      %mul3A_186 = vector.broadcast %mul3A_185 : f32 to vector<32x256xf32>
      %mul3A_187 = arith.mulf %add3A_181, %mul3A_186 : vector<32x256xf32>
      %erf3A = math.erf %mul3A_187 : vector<32x256xf32>
      %add3A_188 = arith.constant 1.000000e+00 : f32
      %add3A_189 = vector.broadcast %add3A_188 : f32 to vector<32x256xf32>
      %add3A_190 = arith.addf %add3A_189, %erf3A : vector<32x256xf32>
      %mul3A_191 = arith.mulf %mul3A_184, %add3A_190 : vector<32x256xf32>
      %get3A_192 = arith.constant 0 : index
      %get3A_193 = arith.constant 0 : index
      %get3A_194 = arith.constant 0 : index
      %get3A_195 = vector.load %arg14[%get3A_192, %get3A_193, %get3A_194] : memref<16x256x256xf32, #tpu.memory_space<vmem>>, vector<1x256x256xf32>
      %get3A_196 = vector.shape_cast %get3A_195 : vector<1x256x256xf32> to vector<256x256xf32>
      %dot_general3A_197 = arith.constant dense<0.000000e+00> : vector<32x256xf32>
      %dot_general3A_198 = tpu.matmul %mul3A_191, %get3A_196, %dot_general3A_197 {dimension_numbers = #tpu.dot_dimension_numbers<[1], [0], [0], [1], [0, 0, 1, 1], [], []>, transpose_lhs_hint = false} : vector<32x256xf32>, vector<256x256xf32>, vector<32x256xf32> -> vector<32x256xf32>
      %get3A_199 = arith.constant 0 : index
      %get3A_200 = arith.constant 0 : index
      %get3A_201 = vector.load %arg15[%get3A_199, %get3A_200] : memref<16x256xf32, #tpu.memory_space<vmem>>, vector<1x256xf32>
      %add3A_202 = vector.broadcast %get3A_201 : vector<1x256xf32> to vector<32x256xf32>
      %add3A_203 = arith.addf %dot_general3A_198, %add3A_202 : vector<32x256xf32>
      %get3A_204 = arith.constant 0 : index
      %get3A_205 = arith.constant 0 : index
      %get3A_206 = vector.load %arg16[%get3A_204, %get3A_205] : memref<256x3xf32, #tpu.memory_space<vmem>>, vector<256x3xf32>
      %dot_general3A_207 = arith.constant dense<0.000000e+00> : vector<32x3xf32>
      %dot_general3A_208 = tpu.matmul %add3A_203, %get3A_206, %dot_general3A_207 {dimension_numbers = #tpu.dot_dimension_numbers<[1], [0], [0], [1], [0, 0, 1, 1], [], []>, transpose_lhs_hint = false} : vector<32x256xf32>, vector<256x3xf32>, vector<32x3xf32> -> vector<32x3xf32>
      %get3A_209 = arith.constant 0 : index
      %get3A_210 = vector.load %arg17[%get3A_209] : memref<3xf32, #tpu.memory_space<vmem>>, vector<3xf32>
      %broadcast_in_dim3A_211 = vector.shape_cast %get3A_210 : vector<3xf32> to vector<1x3xf32>
      %add3A_212 = vector.broadcast %broadcast_in_dim3A_211 : vector<1x3xf32> to vector<32x3xf32>
      %add3A_213 = arith.addf %dot_general3A_208, %add3A_212 : vector<32x3xf32>
      %slice3A = vector.extract_strided_slice %div3A_130 {offsets = [0, 0], sizes = [32, 1], strides = [1, 1]} : vector<32x16xf32> to vector<32x1xf32>
      %mul3A_214 = vector.broadcast %slice3A : vector<32x1xf32> to vector<32x3xf32>
      %mul3A_215 = arith.mulf %mul3A_214, %add3A_213 : vector<32x3xf32>
      %add3A_216 = arith.addf %broadcast_in_dim3A_138, %mul3A_215 : vector<32x3xf32>
      %get3A_217 = arith.constant 1 : index
      %get3A_218 = arith.constant 0 : index
      %get3A_219 = arith.constant 0 : index
      %get3A_220 = vector.load %arg10[%get3A_217, %get3A_218, %get3A_219] : memref<16x1024x256xf32, #tpu.memory_space<vmem>>, vector<1x1024x256xf32>
      %get3A_221 = vector.shape_cast %get3A_220 : vector<1x1024x256xf32> to vector<1024x256xf32>
      %dot_general3A_222 = arith.constant dense<0.000000e+00> : vector<32x256xf32>
      %dot_general3A_223 = tpu.matmul %mul3A_136, %get3A_221, %dot_general3A_222 {dimension_numbers = #tpu.dot_dimension_numbers<[1], [0], [0], [1], [0, 0, 1, 1], [], []>, transpose_lhs_hint = false} : vector<32x1024xf32>, vector<1024x256xf32>, vector<32x256xf32> -> vector<32x256xf32>
      %get3A_224 = arith.constant 1 : index
      %get3A_225 = arith.constant 0 : index
      %get3A_226 = vector.load %arg11[%get3A_224, %get3A_225] : memref<16x256xf32, #tpu.memory_space<vmem>>, vector<1x256xf32>
      %add3A_227 = vector.broadcast %get3A_226 : vector<1x256xf32> to vector<32x256xf32>
      %add3A_228 = arith.addf %dot_general3A_223, %add3A_227 : vector<32x256xf32>
      %reduce_sum3A_229 = arith.constant dense<0.000000e+00> : vector<32xf32>
      %reduce_sum3A_230 = vector.multi_reduction <add>, %add3A_228, %reduce_sum3A_229 [1] : vector<32x256xf32> to vector<32xf32>
      %broadcast_in_dim3A_231 = vector.shape_cast %reduce_sum3A_230 : vector<32xf32> to vector<32x1xf32>
      %div3A_232 = arith.constant 2.560000e+02 : f32
      %div3A_233 = vector.broadcast %div3A_232 : f32 to vector<32x1xf32>
      %div3A_234 = arith.divf %broadcast_in_dim3A_231, %div3A_233 : vector<32x1xf32>
      %sub3A_235 = vector.broadcast %div3A_234 : vector<32x1xf32> to vector<32x256xf32>
      %sub3A_236 = arith.subf %add3A_228, %sub3A_235 : vector<32x256xf32>
      %integer_pow3A_237 = arith.mulf %sub3A_236, %sub3A_236 : vector<32x256xf32>
      %reduce_sum3A_238 = arith.constant dense<0.000000e+00> : vector<32xf32>
      %reduce_sum3A_239 = vector.multi_reduction <add>, %integer_pow3A_237, %reduce_sum3A_238 [1] : vector<32x256xf32> to vector<32xf32>
      %broadcast_in_dim3A_240 = vector.shape_cast %reduce_sum3A_239 : vector<32xf32> to vector<32x1xf32>
      %div3A_241 = arith.constant 2.560000e+02 : f32
      %div3A_242 = vector.broadcast %div3A_241 : f32 to vector<32x1xf32>
      %div3A_243 = arith.divf %broadcast_in_dim3A_240, %div3A_242 : vector<32x1xf32>
      %sub3A_244 = vector.broadcast %div3A_234 : vector<32x1xf32> to vector<32x256xf32>
      %sub3A_245 = arith.subf %add3A_228, %sub3A_244 : vector<32x256xf32>
      %add3A_246 = arith.constant 9.99999974E-6 : f32
      %add3A_247 = vector.broadcast %add3A_246 : f32 to vector<32x1xf32>
      %add3A_248 = arith.addf %div3A_243, %add3A_247 : vector<32x1xf32>
      %sqrt3A_249 = math.sqrt %add3A_248 : vector<32x1xf32>
      %div3A_250 = vector.broadcast %sqrt3A_249 : vector<32x1xf32> to vector<32x256xf32>
      %div3A_251 = arith.divf %sub3A_245, %div3A_250 : vector<32x256xf32>
      %get3A_252 = arith.constant 1 : index
      %get3A_253 = arith.constant 0 : index
      %get3A_254 = vector.load %arg12[%get3A_252, %get3A_253] : memref<16x256xf32, #tpu.memory_space<vmem>>, vector<1x256xf32>
      %mul3A_255 = vector.broadcast %get3A_254 : vector<1x256xf32> to vector<32x256xf32>
      %mul3A_256 = arith.mulf %div3A_251, %mul3A_255 : vector<32x256xf32>
      %get3A_257 = arith.constant 1 : index
      %get3A_258 = arith.constant 0 : index
      %get3A_259 = vector.load %arg13[%get3A_257, %get3A_258] : memref<16x256xf32, #tpu.memory_space<vmem>>, vector<1x256xf32>
      %add3A_260 = vector.broadcast %get3A_259 : vector<1x256xf32> to vector<32x256xf32>
      %add3A_261 = arith.addf %mul3A_256, %add3A_260 : vector<32x256xf32>
      %mul3A_262 = arith.constant 5.000000e-01 : f32
      %mul3A_263 = vector.broadcast %mul3A_262 : f32 to vector<32x256xf32>
      %mul3A_264 = arith.mulf %mul3A_263, %add3A_261 : vector<32x256xf32>
      %mul3A_265 = arith.constant 0.707106769 : f32
      %mul3A_266 = vector.broadcast %mul3A_265 : f32 to vector<32x256xf32>
      %mul3A_267 = arith.mulf %add3A_261, %mul3A_266 : vector<32x256xf32>
      %erf3A_268 = math.erf %mul3A_267 : vector<32x256xf32>
      %add3A_269 = arith.constant 1.000000e+00 : f32
      %add3A_270 = vector.broadcast %add3A_269 : f32 to vector<32x256xf32>
      %add3A_271 = arith.addf %add3A_270, %erf3A_268 : vector<32x256xf32>
      %mul3A_272 = arith.mulf %mul3A_264, %add3A_271 : vector<32x256xf32>
      %get3A_273 = arith.constant 1 : index
      %get3A_274 = arith.constant 0 : index
      %get3A_275 = arith.constant 0 : index
      %get3A_276 = vector.load %arg14[%get3A_273, %get3A_274, %get3A_275] : memref<16x256x256xf32, #tpu.memory_space<vmem>>, vector<1x256x256xf32>
      %get3A_277 = vector.shape_cast %get3A_276 : vector<1x256x256xf32> to vector<256x256xf32>
      %dot_general3A_278 = arith.constant dense<0.000000e+00> : vector<32x256xf32>
      %dot_general3A_279 = tpu.matmul %mul3A_272, %get3A_277, %dot_general3A_278 {dimension_numbers = #tpu.dot_dimension_numbers<[1], [0], [0], [1], [0, 0, 1, 1], [], []>, transpose_lhs_hint = false} : vector<32x256xf32>, vector<256x256xf32>, vector<32x256xf32> -> vector<32x256xf32>
      %get3A_280 = arith.constant 1 : index
      %get3A_281 = arith.constant 0 : index
      %get3A_282 = vector.load %arg15[%get3A_280, %get3A_281] : memref<16x256xf32, #tpu.memory_space<vmem>>, vector<1x256xf32>
      %add3A_283 = vector.broadcast %get3A_282 : vector<1x256xf32> to vector<32x256xf32>
      %add3A_284 = arith.addf %dot_general3A_279, %add3A_283 : vector<32x256xf32>
      %get3A_285 = arith.constant 0 : index
      %get3A_286 = arith.constant 0 : index
      %get3A_287 = vector.load %arg16[%get3A_285, %get3A_286] : memref<256x3xf32, #tpu.memory_space<vmem>>, vector<256x3xf32>
      %dot_general3A_288 = arith.constant dense<0.000000e+00> : vector<32x3xf32>
      %dot_general3A_289 = tpu.matmul %add3A_284, %get3A_287, %dot_general3A_288 {dimension_numbers = #tpu.dot_dimension_numbers<[1], [0], [0], [1], [0, 0, 1, 1], [], []>, transpose_lhs_hint = false} : vector<32x256xf32>, vector<256x3xf32>, vector<32x3xf32> -> vector<32x3xf32>
      %get3A_290 = arith.constant 0 : index
      %get3A_291 = vector.load %arg17[%get3A_290] : memref<3xf32, #tpu.memory_space<vmem>>, vector<3xf32>
      %broadcast_in_dim3A_292 = vector.shape_cast %get3A_291 : vector<3xf32> to vector<1x3xf32>
      %add3A_293 = vector.broadcast %broadcast_in_dim3A_292 : vector<1x3xf32> to vector<32x3xf32>
      %add3A_294 = arith.addf %dot_general3A_289, %add3A_293 : vector<32x3xf32>
      %slice3A_295 = vector.extract_strided_slice %div3A_130 {offsets = [0, 1], sizes = [32, 1], strides = [1, 1]} : vector<32x16xf32> to vector<32x1xf32>
      %mul3A_296 = vector.broadcast %slice3A_295 : vector<32x1xf32> to vector<32x3xf32>
      %mul3A_297 = arith.mulf %mul3A_296, %add3A_294 : vector<32x3xf32>
      %add3A_298 = arith.addf %add3A_216, %mul3A_297 : vector<32x3xf32>
      %get3A_299 = arith.constant 2 : index
      %get3A_300 = arith.constant 0 : index
      %get3A_301 = arith.constant 0 : index
      %get3A_302 = vector.load %arg10[%get3A_299, %get3A_300, %get3A_301] : memref<16x1024x256xf32, #tpu.memory_space<vmem>>, vector<1x1024x256xf32>
      %get3A_303 = vector.shape_cast %get3A_302 : vector<1x1024x256xf32> to vector<1024x256xf32>
      %dot_general3A_304 = arith.constant dense<0.000000e+00> : vector<32x256xf32>
      %dot_general3A_305 = tpu.matmul %mul3A_136, %get3A_303, %dot_general3A_304 {dimension_numbers = #tpu.dot_dimension_numbers<[1], [0], [0], [1], [0, 0, 1, 1], [], []>, transpose_lhs_hint = false} : vector<32x1024xf32>, vector<1024x256xf32>, vector<32x256xf32> -> vector<32x256xf32>
      %get3A_306 = arith.constant 2 : index
      %get3A_307 = arith.constant 0 : index
      %get3A_308 = vector.load %arg11[%get3A_306, %get3A_307] : memref<16x256xf32, #tpu.memory_space<vmem>>, vector<1x256xf32>
      %add3A_309 = vector.broadcast %get3A_308 : vector<1x256xf32> to vector<32x256xf32>
      %add3A_310 = arith.addf %dot_general3A_305, %add3A_309 : vector<32x256xf32>
      %reduce_sum3A_311 = arith.constant dense<0.000000e+00> : vector<32xf32>
      %reduce_sum3A_312 = vector.multi_reduction <add>, %add3A_310, %reduce_sum3A_311 [1] : vector<32x256xf32> to vector<32xf32>
      %broadcast_in_dim3A_313 = vector.shape_cast %reduce_sum3A_312 : vector<32xf32> to vector<32x1xf32>
      %div3A_314 = arith.constant 2.560000e+02 : f32
      %div3A_315 = vector.broadcast %div3A_314 : f32 to vector<32x1xf32>
      %div3A_316 = arith.divf %broadcast_in_dim3A_313, %div3A_315 : vector<32x1xf32>
      %sub3A_317 = vector.broadcast %div3A_316 : vector<32x1xf32> to vector<32x256xf32>
      %sub3A_318 = arith.subf %add3A_310, %sub3A_317 : vector<32x256xf32>
      %integer_pow3A_319 = arith.mulf %sub3A_318, %sub3A_318 : vector<32x256xf32>
      %reduce_sum3A_320 = arith.constant dense<0.000000e+00> : vector<32xf32>
      %reduce_sum3A_321 = vector.multi_reduction <add>, %integer_pow3A_319, %reduce_sum3A_320 [1] : vector<32x256xf32> to vector<32xf32>
      %broadcast_in_dim3A_322 = vector.shape_cast %reduce_sum3A_321 : vector<32xf32> to vector<32x1xf32>
      %div3A_323 = arith.constant 2.560000e+02 : f32
      %div3A_324 = vector.broadcast %div3A_323 : f32 to vector<32x1xf32>
      %div3A_325 = arith.divf %broadcast_in_dim3A_322, %div3A_324 : vector<32x1xf32>
      %sub3A_326 = vector.broadcast %div3A_316 : vector<32x1xf32> to vector<32x256xf32>
      %sub3A_327 = arith.subf %add3A_310, %sub3A_326 : vector<32x256xf32>
      %add3A_328 = arith.constant 9.99999974E-6 : f32
      %add3A_329 = vector.broadcast %add3A_328 : f32 to vector<32x1xf32>
      %add3A_330 = arith.addf %div3A_325, %add3A_329 : vector<32x1xf32>
      %sqrt3A_331 = math.sqrt %add3A_330 : vector<32x1xf32>
      %div3A_332 = vector.broadcast %sqrt3A_331 : vector<32x1xf32> to vector<32x256xf32>
      %div3A_333 = arith.divf %sub3A_327, %div3A_332 : vector<32x256xf32>
      %get3A_334 = arith.constant 2 : index
      %get3A_335 = arith.constant 0 : index
      %get3A_336 = vector.load %arg12[%get3A_334, %get3A_335] : memref<16x256xf32, #tpu.memory_space<vmem>>, vector<1x256xf32>
      %mul3A_337 = vector.broadcast %get3A_336 : vector<1x256xf32> to vector<32x256xf32>
      %mul3A_338 = arith.mulf %div3A_333, %mul3A_337 : vector<32x256xf32>
      %get3A_339 = arith.constant 2 : index
      %get3A_340 = arith.constant 0 : index
      %get3A_341 = vector.load %arg13[%get3A_339, %get3A_340] : memref<16x256xf32, #tpu.memory_space<vmem>>, vector<1x256xf32>
      %add3A_342 = vector.broadcast %get3A_341 : vector<1x256xf32> to vector<32x256xf32>
      %add3A_343 = arith.addf %mul3A_338, %add3A_342 : vector<32x256xf32>
      %mul3A_344 = arith.constant 5.000000e-01 : f32
      %mul3A_345 = vector.broadcast %mul3A_344 : f32 to vector<32x256xf32>
      %mul3A_346 = arith.mulf %mul3A_345, %add3A_343 : vector<32x256xf32>
      %mul3A_347 = arith.constant 0.707106769 : f32
      %mul3A_348 = vector.broadcast %mul3A_347 : f32 to vector<32x256xf32>
      %mul3A_349 = arith.mulf %add3A_343, %mul3A_348 : vector<32x256xf32>
      %erf3A_350 = math.erf %mul3A_349 : vector<32x256xf32>
      %add3A_351 = arith.constant 1.000000e+00 : f32
      %add3A_352 = vector.broadcast %add3A_351 : f32 to vector<32x256xf32>
      %add3A_353 = arith.addf %add3A_352, %erf3A_350 : vector<32x256xf32>
      %mul3A_354 = arith.mulf %mul3A_346, %add3A_353 : vector<32x256xf32>
      %get3A_355 = arith.constant 2 : index
      %get3A_356 = arith.constant 0 : index
      %get3A_357 = arith.constant 0 : index
      %get3A_358 = vector.load %arg14[%get3A_355, %get3A_356, %get3A_357] : memref<16x256x256xf32, #tpu.memory_space<vmem>>, vector<1x256x256xf32>
      %get3A_359 = vector.shape_cast %get3A_358 : vector<1x256x256xf32> to vector<256x256xf32>
      %dot_general3A_360 = arith.constant dense<0.000000e+00> : vector<32x256xf32>
      %dot_general3A_361 = tpu.matmul %mul3A_354, %get3A_359, %dot_general3A_360 {dimension_numbers = #tpu.dot_dimension_numbers<[1], [0], [0], [1], [0, 0, 1, 1], [], []>, transpose_lhs_hint = false} : vector<32x256xf32>, vector<256x256xf32>, vector<32x256xf32> -> vector<32x256xf32>
      %get3A_362 = arith.constant 2 : index
      %get3A_363 = arith.constant 0 : index
      %get3A_364 = vector.load %arg15[%get3A_362, %get3A_363] : memref<16x256xf32, #tpu.memory_space<vmem>>, vector<1x256xf32>
      %add3A_365 = vector.broadcast %get3A_364 : vector<1x256xf32> to vector<32x256xf32>
      %add3A_366 = arith.addf %dot_general3A_361, %add3A_365 : vector<32x256xf32>
      %get3A_367 = arith.constant 0 : index
      %get3A_368 = arith.constant 0 : index
      %get3A_369 = vector.load %arg16[%get3A_367, %get3A_368] : memref<256x3xf32, #tpu.memory_space<vmem>>, vector<256x3xf32>
      %dot_general3A_370 = arith.constant dense<0.000000e+00> : vector<32x3xf32>
      %dot_general3A_371 = tpu.matmul %add3A_366, %get3A_369, %dot_general3A_370 {dimension_numbers = #tpu.dot_dimension_numbers<[1], [0], [0], [1], [0, 0, 1, 1], [], []>, transpose_lhs_hint = false} : vector<32x256xf32>, vector<256x3xf32>, vector<32x3xf32> -> vector<32x3xf32>
      %get3A_372 = arith.constant 0 : index
      %get3A_373 = vector.load %arg17[%get3A_372] : memref<3xf32, #tpu.memory_space<vmem>>, vector<3xf32>
      %broadcast_in_dim3A_374 = vector.shape_cast %get3A_373 : vector<3xf32> to vector<1x3xf32>
      %add3A_375 = vector.broadcast %broadcast_in_dim3A_374 : vector<1x3xf32> to vector<32x3xf32>
      %add3A_376 = arith.addf %dot_general3A_371, %add3A_375 : vector<32x3xf32>
      %slice3A_377 = vector.extract_strided_slice %div3A_130 {offsets = [0, 2], sizes = [32, 1], strides = [1, 1]} : vector<32x16xf32> to vector<32x1xf32>
      %mul3A_378 = vector.broadcast %slice3A_377 : vector<32x1xf32> to vector<32x3xf32>
      %mul3A_379 = arith.mulf %mul3A_378, %add3A_376 : vector<32x3xf32>
      %add3A_380 = arith.addf %add3A_298, %mul3A_379 : vector<32x3xf32>
      %get3A_381 = arith.constant 3 : index
      %get3A_382 = arith.constant 0 : index
      %get3A_383 = arith.constant 0 : index
      %get3A_384 = vector.load %arg10[%get3A_381, %get3A_382, %get3A_383] : memref<16x1024x256xf32, #tpu.memory_space<vmem>>, vector<1x1024x256xf32>
      %get3A_385 = vector.shape_cast %get3A_384 : vector<1x1024x256xf32> to vector<1024x256xf32>
      %dot_general3A_386 = arith.constant dense<0.000000e+00> : vector<32x256xf32>
      %dot_general3A_387 = tpu.matmul %mul3A_136, %get3A_385, %dot_general3A_386 {dimension_numbers = #tpu.dot_dimension_numbers<[1], [0], [0], [1], [0, 0, 1, 1], [], []>, transpose_lhs_hint = false} : vector<32x1024xf32>, vector<1024x256xf32>, vector<32x256xf32> -> vector<32x256xf32>
      %get3A_388 = arith.constant 3 : index
      %get3A_389 = arith.constant 0 : index
      %get3A_390 = vector.load %arg11[%get3A_388, %get3A_389] : memref<16x256xf32, #tpu.memory_space<vmem>>, vector<1x256xf32>
      %add3A_391 = vector.broadcast %get3A_390 : vector<1x256xf32> to vector<32x256xf32>
      %add3A_392 = arith.addf %dot_general3A_387, %add3A_391 : vector<32x256xf32>
      %reduce_sum3A_393 = arith.constant dense<0.000000e+00> : vector<32xf32>
      %reduce_sum3A_394 = vector.multi_reduction <add>, %add3A_392, %reduce_sum3A_393 [1] : vector<32x256xf32> to vector<32xf32>
      %broadcast_in_dim3A_395 = vector.shape_cast %reduce_sum3A_394 : vector<32xf32> to vector<32x1xf32>
      %div3A_396 = arith.constant 2.560000e+02 : f32
      %div3A_397 = vector.broadcast %div3A_396 : f32 to vector<32x1xf32>
      %div3A_398 = arith.divf %broadcast_in_dim3A_395, %div3A_397 : vector<32x1xf32>
      %sub3A_399 = vector.broadcast %div3A_398 : vector<32x1xf32> to vector<32x256xf32>
      %sub3A_400 = arith.subf %add3A_392, %sub3A_399 : vector<32x256xf32>
      %integer_pow3A_401 = arith.mulf %sub3A_400, %sub3A_400 : vector<32x256xf32>
      %reduce_sum3A_402 = arith.constant dense<0.000000e+00> : vector<32xf32>
      %reduce_sum3A_403 = vector.multi_reduction <add>, %integer_pow3A_401, %reduce_sum3A_402 [1] : vector<32x256xf32> to vector<32xf32>
      %broadcast_in_dim3A_404 = vector.shape_cast %reduce_sum3A_403 : vector<32xf32> to vector<32x1xf32>
      %div3A_405 = arith.constant 2.560000e+02 : f32
      %div3A_406 = vector.broadcast %div3A_405 : f32 to vector<32x1xf32>
      %div3A_407 = arith.divf %broadcast_in_dim3A_404, %div3A_406 : vector<32x1xf32>
      %sub3A_408 = vector.broadcast %div3A_398 : vector<32x1xf32> to vector<32x256xf32>
      %sub3A_409 = arith.subf %add3A_392, %sub3A_408 : vector<32x256xf32>
      %add3A_410 = arith.constant 9.99999974E-6 : f32
      %add3A_411 = vector.broadcast %add3A_410 : f32 to vector<32x1xf32>
      %add3A_412 = arith.addf %div3A_407, %add3A_411 : vector<32x1xf32>
      %sqrt3A_413 = math.sqrt %add3A_412 : vector<32x1xf32>
      %div3A_414 = vector.broadcast %sqrt3A_413 : vector<32x1xf32> to vector<32x256xf32>
      %div3A_415 = arith.divf %sub3A_409, %div3A_414 : vector<32x256xf32>
      %get3A_416 = arith.constant 3 : index
      %get3A_417 = arith.constant 0 : index
      %get3A_418 = vector.load %arg12[%get3A_416, %get3A_417] : memref<16x256xf32, #tpu.memory_space<vmem>>, vector<1x256xf32>
      %mul3A_419 = vector.broadcast %get3A_418 : vector<1x256xf32> to vector<32x256xf32>
      %mul3A_420 = arith.mulf %div3A_415, %mul3A_419 : vector<32x256xf32>
      %get3A_421 = arith.constant 3 : index
      %get3A_422 = arith.constant 0 : index
      %get3A_423 = vector.load %arg13[%get3A_421, %get3A_422] : memref<16x256xf32, #tpu.memory_space<vmem>>, vector<1x256xf32>
      %add3A_424 = vector.broadcast %get3A_423 : vector<1x256xf32> to vector<32x256xf32>
      %add3A_425 = arith.addf %mul3A_420, %add3A_424 : vector<32x256xf32>
      %mul3A_426 = arith.constant 5.000000e-01 : f32
      %mul3A_427 = vector.broadcast %mul3A_426 : f32 to vector<32x256xf32>
      %mul3A_428 = arith.mulf %mul3A_427, %add3A_425 : vector<32x256xf32>
      %mul3A_429 = arith.constant 0.707106769 : f32
      %mul3A_430 = vector.broadcast %mul3A_429 : f32 to vector<32x256xf32>
      %mul3A_431 = arith.mulf %add3A_425, %mul3A_430 : vector<32x256xf32>
      %erf3A_432 = math.erf %mul3A_431 : vector<32x256xf32>
      %add3A_433 = arith.constant 1.000000e+00 : f32
      %add3A_434 = vector.broadcast %add3A_433 : f32 to vector<32x256xf32>
      %add3A_435 = arith.addf %add3A_434, %erf3A_432 : vector<32x256xf32>
      %mul3A_436 = arith.mulf %mul3A_428, %add3A_435 : vector<32x256xf32>
      %get3A_437 = arith.constant 3 : index
      %get3A_438 = arith.constant 0 : index
      %get3A_439 = arith.constant 0 : index
      %get3A_440 = vector.load %arg14[%get3A_437, %get3A_438, %get3A_439] : memref<16x256x256xf32, #tpu.memory_space<vmem>>, vector<1x256x256xf32>
      %get3A_441 = vector.shape_cast %get3A_440 : vector<1x256x256xf32> to vector<256x256xf32>
      %dot_general3A_442 = arith.constant dense<0.000000e+00> : vector<32x256xf32>
      %dot_general3A_443 = tpu.matmul %mul3A_436, %get3A_441, %dot_general3A_442 {dimension_numbers = #tpu.dot_dimension_numbers<[1], [0], [0], [1], [0, 0, 1, 1], [], []>, transpose_lhs_hint = false} : vector<32x256xf32>, vector<256x256xf32>, vector<32x256xf32> -> vector<32x256xf32>
      %get3A_444 = arith.constant 3 : index
      %get3A_445 = arith.constant 0 : index
      %get3A_446 = vector.load %arg15[%get3A_444, %get3A_445] : memref<16x256xf32, #tpu.memory_space<vmem>>, vector<1x256xf32>
      %add3A_447 = vector.broadcast %get3A_446 : vector<1x256xf32> to vector<32x256xf32>
      %add3A_448 = arith.addf %dot_general3A_443, %add3A_447 : vector<32x256xf32>
      %get3A_449 = arith.constant 0 : index
      %get3A_450 = arith.constant 0 : index
      %get3A_451 = vector.load %arg16[%get3A_449, %get3A_450] : memref<256x3xf32, #tpu.memory_space<vmem>>, vector<256x3xf32>
      %dot_general3A_452 = arith.constant dense<0.000000e+00> : vector<32x3xf32>
      %dot_general3A_453 = tpu.matmul %add3A_448, %get3A_451, %dot_general3A_452 {dimension_numbers = #tpu.dot_dimension_numbers<[1], [0], [0], [1], [0, 0, 1, 1], [], []>, transpose_lhs_hint = false} : vector<32x256xf32>, vector<256x3xf32>, vector<32x3xf32> -> vector<32x3xf32>
      %get3A_454 = arith.constant 0 : index
      %get3A_455 = vector.load %arg17[%get3A_454] : memref<3xf32, #tpu.memory_space<vmem>>, vector<3xf32>
      %broadcast_in_dim3A_456 = vector.shape_cast %get3A_455 : vector<3xf32> to vector<1x3xf32>
      %add3A_457 = vector.broadcast %broadcast_in_dim3A_456 : vector<1x3xf32> to vector<32x3xf32>
      %add3A_458 = arith.addf %dot_general3A_453, %add3A_457 : vector<32x3xf32>
      %slice3A_459 = vector.extract_strided_slice %div3A_130 {offsets = [0, 3], sizes = [32, 1], strides = [1, 1]} : vector<32x16xf32> to vector<32x1xf32>
      %mul3A_460 = vector.broadcast %slice3A_459 : vector<32x1xf32> to vector<32x3xf32>
      %mul3A_461 = arith.mulf %mul3A_460, %add3A_458 : vector<32x3xf32>
      %add3A_462 = arith.addf %add3A_380, %mul3A_461 : vector<32x3xf32>
      %get3A_463 = arith.constant 4 : index
      %get3A_464 = arith.constant 0 : index
      %get3A_465 = arith.constant 0 : index
      %get3A_466 = vector.load %arg10[%get3A_463, %get3A_464, %get3A_465] : memref<16x1024x256xf32, #tpu.memory_space<vmem>>, vector<1x1024x256xf32>
      %get3A_467 = vector.shape_cast %get3A_466 : vector<1x1024x256xf32> to vector<1024x256xf32>
      %dot_general3A_468 = arith.constant dense<0.000000e+00> : vector<32x256xf32>
      %dot_general3A_469 = tpu.matmul %mul3A_136, %get3A_467, %dot_general3A_468 {dimension_numbers = #tpu.dot_dimension_numbers<[1], [0], [0], [1], [0, 0, 1, 1], [], []>, transpose_lhs_hint = false} : vector<32x1024xf32>, vector<1024x256xf32>, vector<32x256xf32> -> vector<32x256xf32>
      %get3A_470 = arith.constant 4 : index
      %get3A_471 = arith.constant 0 : index
      %get3A_472 = vector.load %arg11[%get3A_470, %get3A_471] : memref<16x256xf32, #tpu.memory_space<vmem>>, vector<1x256xf32>
      %add3A_473 = vector.broadcast %get3A_472 : vector<1x256xf32> to vector<32x256xf32>
      %add3A_474 = arith.addf %dot_general3A_469, %add3A_473 : vector<32x256xf32>
      %reduce_sum3A_475 = arith.constant dense<0.000000e+00> : vector<32xf32>
      %reduce_sum3A_476 = vector.multi_reduction <add>, %add3A_474, %reduce_sum3A_475 [1] : vector<32x256xf32> to vector<32xf32>
      %broadcast_in_dim3A_477 = vector.shape_cast %reduce_sum3A_476 : vector<32xf32> to vector<32x1xf32>
      %div3A_478 = arith.constant 2.560000e+02 : f32
      %div3A_479 = vector.broadcast %div3A_478 : f32 to vector<32x1xf32>
      %div3A_480 = arith.divf %broadcast_in_dim3A_477, %div3A_479 : vector<32x1xf32>
      %sub3A_481 = vector.broadcast %div3A_480 : vector<32x1xf32> to vector<32x256xf32>
      %sub3A_482 = arith.subf %add3A_474, %sub3A_481 : vector<32x256xf32>
      %integer_pow3A_483 = arith.mulf %sub3A_482, %sub3A_482 : vector<32x256xf32>
      %reduce_sum3A_484 = arith.constant dense<0.000000e+00> : vector<32xf32>
      %reduce_sum3A_485 = vector.multi_reduction <add>, %integer_pow3A_483, %reduce_sum3A_484 [1] : vector<32x256xf32> to vector<32xf32>
      %broadcast_in_dim3A_486 = vector.shape_cast %reduce_sum3A_485 : vector<32xf32> to vector<32x1xf32>
      %div3A_487 = arith.constant 2.560000e+02 : f32
      %div3A_488 = vector.broadcast %div3A_487 : f32 to vector<32x1xf32>
      %div3A_489 = arith.divf %broadcast_in_dim3A_486, %div3A_488 : vector<32x1xf32>
      %sub3A_490 = vector.broadcast %div3A_480 : vector<32x1xf32> to vector<32x256xf32>
      %sub3A_491 = arith.subf %add3A_474, %sub3A_490 : vector<32x256xf32>
      %add3A_492 = arith.constant 9.99999974E-6 : f32
      %add3A_493 = vector.broadcast %add3A_492 : f32 to vector<32x1xf32>
      %add3A_494 = arith.addf %div3A_489, %add3A_493 : vector<32x1xf32>
      %sqrt3A_495 = math.sqrt %add3A_494 : vector<32x1xf32>
      %div3A_496 = vector.broadcast %sqrt3A_495 : vector<32x1xf32> to vector<32x256xf32>
      %div3A_497 = arith.divf %sub3A_491, %div3A_496 : vector<32x256xf32>
      %get3A_498 = arith.constant 4 : index
      %get3A_499 = arith.constant 0 : index
      %get3A_500 = vector.load %arg12[%get3A_498, %get3A_499] : memref<16x256xf32, #tpu.memory_space<vmem>>, vector<1x256xf32>
      %mul3A_501 = vector.broadcast %get3A_500 : vector<1x256xf32> to vector<32x256xf32>
      %mul3A_502 = arith.mulf %div3A_497, %mul3A_501 : vector<32x256xf32>
      %get3A_503 = arith.constant 4 : index
      %get3A_504 = arith.constant 0 : index
      %get3A_505 = vector.load %arg13[%get3A_503, %get3A_504] : memref<16x256xf32, #tpu.memory_space<vmem>>, vector<1x256xf32>
      %add3A_506 = vector.broadcast %get3A_505 : vector<1x256xf32> to vector<32x256xf32>
      %add3A_507 = arith.addf %mul3A_502, %add3A_506 : vector<32x256xf32>
      %mul3A_508 = arith.constant 5.000000e-01 : f32
      %mul3A_509 = vector.broadcast %mul3A_508 : f32 to vector<32x256xf32>
      %mul3A_510 = arith.mulf %mul3A_509, %add3A_507 : vector<32x256xf32>
      %mul3A_511 = arith.constant 0.707106769 : f32
      %mul3A_512 = vector.broadcast %mul3A_511 : f32 to vector<32x256xf32>
      %mul3A_513 = arith.mulf %add3A_507, %mul3A_512 : vector<32x256xf32>
      %erf3A_514 = math.erf %mul3A_513 : vector<32x256xf32>
      %add3A_515 = arith.constant 1.000000e+00 : f32
      %add3A_516 = vector.broadcast %add3A_515 : f32 to vector<32x256xf32>
      %add3A_517 = arith.addf %add3A_516, %erf3A_514 : vector<32x256xf32>
      %mul3A_518 = arith.mulf %mul3A_510, %add3A_517 : vector<32x256xf32>
      %get3A_519 = arith.constant 4 : index
      %get3A_520 = arith.constant 0 : index
      %get3A_521 = arith.constant 0 : index
      %get3A_522 = vector.load %arg14[%get3A_519, %get3A_520, %get3A_521] : memref<16x256x256xf32, #tpu.memory_space<vmem>>, vector<1x256x256xf32>
      %get3A_523 = vector.shape_cast %get3A_522 : vector<1x256x256xf32> to vector<256x256xf32>
      %dot_general3A_524 = arith.constant dense<0.000000e+00> : vector<32x256xf32>
      %dot_general3A_525 = tpu.matmul %mul3A_518, %get3A_523, %dot_general3A_524 {dimension_numbers = #tpu.dot_dimension_numbers<[1], [0], [0], [1], [0, 0, 1, 1], [], []>, transpose_lhs_hint = false} : vector<32x256xf32>, vector<256x256xf32>, vector<32x256xf32> -> vector<32x256xf32>
      %get3A_526 = arith.constant 4 : index
      %get3A_527 = arith.constant 0 : index
      %get3A_528 = vector.load %arg15[%get3A_526, %get3A_527] : memref<16x256xf32, #tpu.memory_space<vmem>>, vector<1x256xf32>
      %add3A_529 = vector.broadcast %get3A_528 : vector<1x256xf32> to vector<32x256xf32>
      %add3A_530 = arith.addf %dot_general3A_525, %add3A_529 : vector<32x256xf32>
      %get3A_531 = arith.constant 0 : index
      %get3A_532 = arith.constant 0 : index
      %get3A_533 = vector.load %arg16[%get3A_531, %get3A_532] : memref<256x3xf32, #tpu.memory_space<vmem>>, vector<256x3xf32>
      %dot_general3A_534 = arith.constant dense<0.000000e+00> : vector<32x3xf32>
      %dot_general3A_535 = tpu.matmul %add3A_530, %get3A_533, %dot_general3A_534 {dimension_numbers = #tpu.dot_dimension_numbers<[1], [0], [0], [1], [0, 0, 1, 1], [], []>, transpose_lhs_hint = false} : vector<32x256xf32>, vector<256x3xf32>, vector<32x3xf32> -> vector<32x3xf32>
      %get3A_536 = arith.constant 0 : index
      %get3A_537 = vector.load %arg17[%get3A_536] : memref<3xf32, #tpu.memory_space<vmem>>, vector<3xf32>
      %broadcast_in_dim3A_538 = vector.shape_cast %get3A_537 : vector<3xf32> to vector<1x3xf32>
      %add3A_539 = vector.broadcast %broadcast_in_dim3A_538 : vector<1x3xf32> to vector<32x3xf32>
      %add3A_540 = arith.addf %dot_general3A_535, %add3A_539 : vector<32x3xf32>
      %slice3A_541 = vector.extract_strided_slice %div3A_130 {offsets = [0, 4], sizes = [32, 1], strides = [1, 1]} : vector<32x16xf32> to vector<32x1xf32>
      %mul3A_542 = vector.broadcast %slice3A_541 : vector<32x1xf32> to vector<32x3xf32>
      %mul3A_543 = arith.mulf %mul3A_542, %add3A_540 : vector<32x3xf32>
      %add3A_544 = arith.addf %add3A_462, %mul3A_543 : vector<32x3xf32>
      %get3A_545 = arith.constant 5 : index
      %get3A_546 = arith.constant 0 : index
      %get3A_547 = arith.constant 0 : index
      %get3A_548 = vector.load %arg10[%get3A_545, %get3A_546, %get3A_547] : memref<16x1024x256xf32, #tpu.memory_space<vmem>>, vector<1x1024x256xf32>
      %get3A_549 = vector.shape_cast %get3A_548 : vector<1x1024x256xf32> to vector<1024x256xf32>
      %dot_general3A_550 = arith.constant dense<0.000000e+00> : vector<32x256xf32>
      %dot_general3A_551 = tpu.matmul %mul3A_136, %get3A_549, %dot_general3A_550 {dimension_numbers = #tpu.dot_dimension_numbers<[1], [0], [0], [1], [0, 0, 1, 1], [], []>, transpose_lhs_hint = false} : vector<32x1024xf32>, vector<1024x256xf32>, vector<32x256xf32> -> vector<32x256xf32>
      %get3A_552 = arith.constant 5 : index
      %get3A_553 = arith.constant 0 : index
      %get3A_554 = vector.load %arg11[%get3A_552, %get3A_553] : memref<16x256xf32, #tpu.memory_space<vmem>>, vector<1x256xf32>
      %add3A_555 = vector.broadcast %get3A_554 : vector<1x256xf32> to vector<32x256xf32>
      %add3A_556 = arith.addf %dot_general3A_551, %add3A_555 : vector<32x256xf32>
      %reduce_sum3A_557 = arith.constant dense<0.000000e+00> : vector<32xf32>
      %reduce_sum3A_558 = vector.multi_reduction <add>, %add3A_556, %reduce_sum3A_557 [1] : vector<32x256xf32> to vector<32xf32>
      %broadcast_in_dim3A_559 = vector.shape_cast %reduce_sum3A_558 : vector<32xf32> to vector<32x1xf32>
      %div3A_560 = arith.constant 2.560000e+02 : f32
      %div3A_561 = vector.broadcast %div3A_560 : f32 to vector<32x1xf32>
      %div3A_562 = arith.divf %broadcast_in_dim3A_559, %div3A_561 : vector<32x1xf32>
      %sub3A_563 = vector.broadcast %div3A_562 : vector<32x1xf32> to vector<32x256xf32>
      %sub3A_564 = arith.subf %add3A_556, %sub3A_563 : vector<32x256xf32>
      %integer_pow3A_565 = arith.mulf %sub3A_564, %sub3A_564 : vector<32x256xf32>
      %reduce_sum3A_566 = arith.constant dense<0.000000e+00> : vector<32xf32>
      %reduce_sum3A_567 = vector.multi_reduction <add>, %integer_pow3A_565, %reduce_sum3A_566 [1] : vector<32x256xf32> to vector<32xf32>
      %broadcast_in_dim3A_568 = vector.shape_cast %reduce_sum3A_567 : vector<32xf32> to vector<32x1xf32>
      %div3A_569 = arith.constant 2.560000e+02 : f32
      %div3A_570 = vector.broadcast %div3A_569 : f32 to vector<32x1xf32>
      %div3A_571 = arith.divf %broadcast_in_dim3A_568, %div3A_570 : vector<32x1xf32>
      %sub3A_572 = vector.broadcast %div3A_562 : vector<32x1xf32> to vector<32x256xf32>
      %sub3A_573 = arith.subf %add3A_556, %sub3A_572 : vector<32x256xf32>
      %add3A_574 = arith.constant 9.99999974E-6 : f32
      %add3A_575 = vector.broadcast %add3A_574 : f32 to vector<32x1xf32>
      %add3A_576 = arith.addf %div3A_571, %add3A_575 : vector<32x1xf32>
      %sqrt3A_577 = math.sqrt %add3A_576 : vector<32x1xf32>
      %div3A_578 = vector.broadcast %sqrt3A_577 : vector<32x1xf32> to vector<32x256xf32>
      %div3A_579 = arith.divf %sub3A_573, %div3A_578 : vector<32x256xf32>
      %get3A_580 = arith.constant 5 : index
      %get3A_581 = arith.constant 0 : index
      %get3A_582 = vector.load %arg12[%get3A_580, %get3A_581] : memref<16x256xf32, #tpu.memory_space<vmem>>, vector<1x256xf32>
      %mul3A_583 = vector.broadcast %get3A_582 : vector<1x256xf32> to vector<32x256xf32>
      %mul3A_584 = arith.mulf %div3A_579, %mul3A_583 : vector<32x256xf32>
      %get3A_585 = arith.constant 5 : index
      %get3A_586 = arith.constant 0 : index
      %get3A_587 = vector.load %arg13[%get3A_585, %get3A_586] : memref<16x256xf32, #tpu.memory_space<vmem>>, vector<1x256xf32>
      %add3A_588 = vector.broadcast %get3A_587 : vector<1x256xf32> to vector<32x256xf32>
      %add3A_589 = arith.addf %mul3A_584, %add3A_588 : vector<32x256xf32>
      %mul3A_590 = arith.constant 5.000000e-01 : f32
      %mul3A_591 = vector.broadcast %mul3A_590 : f32 to vector<32x256xf32>
      %mul3A_592 = arith.mulf %mul3A_591, %add3A_589 : vector<32x256xf32>
      %mul3A_593 = arith.constant 0.707106769 : f32
      %mul3A_594 = vector.broadcast %mul3A_593 : f32 to vector<32x256xf32>
      %mul3A_595 = arith.mulf %add3A_589, %mul3A_594 : vector<32x256xf32>
      %erf3A_596 = math.erf %mul3A_595 : vector<32x256xf32>
      %add3A_597 = arith.constant 1.000000e+00 : f32
      %add3A_598 = vector.broadcast %add3A_597 : f32 to vector<32x256xf32>
      %add3A_599 = arith.addf %add3A_598, %erf3A_596 : vector<32x256xf32>
      %mul3A_600 = arith.mulf %mul3A_592, %add3A_599 : vector<32x256xf32>
      %get3A_601 = arith.constant 5 : index
      %get3A_602 = arith.constant 0 : index
      %get3A_603 = arith.constant 0 : index
      %get3A_604 = vector.load %arg14[%get3A_601, %get3A_602, %get3A_603] : memref<16x256x256xf32, #tpu.memory_space<vmem>>, vector<1x256x256xf32>
      %get3A_605 = vector.shape_cast %get3A_604 : vector<1x256x256xf32> to vector<256x256xf32>
      %dot_general3A_606 = arith.constant dense<0.000000e+00> : vector<32x256xf32>
      %dot_general3A_607 = tpu.matmul %mul3A_600, %get3A_605, %dot_general3A_606 {dimension_numbers = #tpu.dot_dimension_numbers<[1], [0], [0], [1], [0, 0, 1, 1], [], []>, transpose_lhs_hint = false} : vector<32x256xf32>, vector<256x256xf32>, vector<32x256xf32> -> vector<32x256xf32>
      %get3A_608 = arith.constant 5 : index
      %get3A_609 = arith.constant 0 : index
      %get3A_610 = vector.load %arg15[%get3A_608, %get3A_609] : memref<16x256xf32, #tpu.memory_space<vmem>>, vector<1x256xf32>
      %add3A_611 = vector.broadcast %get3A_610 : vector<1x256xf32> to vector<32x256xf32>
      %add3A_612 = arith.addf %dot_general3A_607, %add3A_611 : vector<32x256xf32>
      %get3A_613 = arith.constant 0 : index
      %get3A_614 = arith.constant 0 : index
      %get3A_615 = vector.load %arg16[%get3A_613, %get3A_614] : memref<256x3xf32, #tpu.memory_space<vmem>>, vector<256x3xf32>
      %dot_general3A_616 = arith.constant dense<0.000000e+00> : vector<32x3xf32>
      %dot_general3A_617 = tpu.matmul %add3A_612, %get3A_615, %dot_general3A_616 {dimension_numbers = #tpu.dot_dimension_numbers<[1], [0], [0], [1], [0, 0, 1, 1], [], []>, transpose_lhs_hint = false} : vector<32x256xf32>, vector<256x3xf32>, vector<32x3xf32> -> vector<32x3xf32>
      %get3A_618 = arith.constant 0 : index
      %get3A_619 = vector.load %arg17[%get3A_618] : memref<3xf32, #tpu.memory_space<vmem>>, vector<3xf32>
      %broadcast_in_dim3A_620 = vector.shape_cast %get3A_619 : vector<3xf32> to vector<1x3xf32>
      %add3A_621 = vector.broadcast %broadcast_in_dim3A_620 : vector<1x3xf32> to vector<32x3xf32>
      %add3A_622 = arith.addf %dot_general3A_617, %add3A_621 : vector<32x3xf32>
      %slice3A_623 = vector.extract_strided_slice %div3A_130 {offsets = [0, 5], sizes = [32, 1], strides = [1, 1]} : vector<32x16xf32> to vector<32x1xf32>
      %mul3A_624 = vector.broadcast %slice3A_623 : vector<32x1xf32> to vector<32x3xf32>
      %mul3A_625 = arith.mulf %mul3A_624, %add3A_622 : vector<32x3xf32>
      %add3A_626 = arith.addf %add3A_544, %mul3A_625 : vector<32x3xf32>
      %get3A_627 = arith.constant 6 : index
      %get3A_628 = arith.constant 0 : index
      %get3A_629 = arith.constant 0 : index
      %get3A_630 = vector.load %arg10[%get3A_627, %get3A_628, %get3A_629] : memref<16x1024x256xf32, #tpu.memory_space<vmem>>, vector<1x1024x256xf32>
      %get3A_631 = vector.shape_cast %get3A_630 : vector<1x1024x256xf32> to vector<1024x256xf32>
      %dot_general3A_632 = arith.constant dense<0.000000e+00> : vector<32x256xf32>
      %dot_general3A_633 = tpu.matmul %mul3A_136, %get3A_631, %dot_general3A_632 {dimension_numbers = #tpu.dot_dimension_numbers<[1], [0], [0], [1], [0, 0, 1, 1], [], []>, transpose_lhs_hint = false} : vector<32x1024xf32>, vector<1024x256xf32>, vector<32x256xf32> -> vector<32x256xf32>
      %get3A_634 = arith.constant 6 : index
      %get3A_635 = arith.constant 0 : index
      %get3A_636 = vector.load %arg11[%get3A_634, %get3A_635] : memref<16x256xf32, #tpu.memory_space<vmem>>, vector<1x256xf32>
      %add3A_637 = vector.broadcast %get3A_636 : vector<1x256xf32> to vector<32x256xf32>
      %add3A_638 = arith.addf %dot_general3A_633, %add3A_637 : vector<32x256xf32>
      %reduce_sum3A_639 = arith.constant dense<0.000000e+00> : vector<32xf32>
      %reduce_sum3A_640 = vector.multi_reduction <add>, %add3A_638, %reduce_sum3A_639 [1] : vector<32x256xf32> to vector<32xf32>
      %broadcast_in_dim3A_641 = vector.shape_cast %reduce_sum3A_640 : vector<32xf32> to vector<32x1xf32>
      %div3A_642 = arith.constant 2.560000e+02 : f32
      %div3A_643 = vector.broadcast %div3A_642 : f32 to vector<32x1xf32>
      %div3A_644 = arith.divf %broadcast_in_dim3A_641, %div3A_643 : vector<32x1xf32>
      %sub3A_645 = vector.broadcast %div3A_644 : vector<32x1xf32> to vector<32x256xf32>
      %sub3A_646 = arith.subf %add3A_638, %sub3A_645 : vector<32x256xf32>
      %integer_pow3A_647 = arith.mulf %sub3A_646, %sub3A_646 : vector<32x256xf32>
      %reduce_sum3A_648 = arith.constant dense<0.000000e+00> : vector<32xf32>
      %reduce_sum3A_649 = vector.multi_reduction <add>, %integer_pow3A_647, %reduce_sum3A_648 [1] : vector<32x256xf32> to vector<32xf32>
      %broadcast_in_dim3A_650 = vector.shape_cast %reduce_sum3A_649 : vector<32xf32> to vector<32x1xf32>
      %div3A_651 = arith.constant 2.560000e+02 : f32
      %div3A_652 = vector.broadcast %div3A_651 : f32 to vector<32x1xf32>
      %div3A_653 = arith.divf %broadcast_in_dim3A_650, %div3A_652 : vector<32x1xf32>
      %sub3A_654 = vector.broadcast %div3A_644 : vector<32x1xf32> to vector<32x256xf32>
      %sub3A_655 = arith.subf %add3A_638, %sub3A_654 : vector<32x256xf32>
      %add3A_656 = arith.constant 9.99999974E-6 : f32
      %add3A_657 = vector.broadcast %add3A_656 : f32 to vector<32x1xf32>
      %add3A_658 = arith.addf %div3A_653, %add3A_657 : vector<32x1xf32>
      %sqrt3A_659 = math.sqrt %add3A_658 : vector<32x1xf32>
      %div3A_660 = vector.broadcast %sqrt3A_659 : vector<32x1xf32> to vector<32x256xf32>
      %div3A_661 = arith.divf %sub3A_655, %div3A_660 : vector<32x256xf32>
      %get3A_662 = arith.constant 6 : index
      %get3A_663 = arith.constant 0 : index
      %get3A_664 = vector.load %arg12[%get3A_662, %get3A_663] : memref<16x256xf32, #tpu.memory_space<vmem>>, vector<1x256xf32>
      %mul3A_665 = vector.broadcast %get3A_664 : vector<1x256xf32> to vector<32x256xf32>
      %mul3A_666 = arith.mulf %div3A_661, %mul3A_665 : vector<32x256xf32>
      %get3A_667 = arith.constant 6 : index
      %get3A_668 = arith.constant 0 : index
      %get3A_669 = vector.load %arg13[%get3A_667, %get3A_668] : memref<16x256xf32, #tpu.memory_space<vmem>>, vector<1x256xf32>
      %add3A_670 = vector.broadcast %get3A_669 : vector<1x256xf32> to vector<32x256xf32>
      %add3A_671 = arith.addf %mul3A_666, %add3A_670 : vector<32x256xf32>
      %mul3A_672 = arith.constant 5.000000e-01 : f32
      %mul3A_673 = vector.broadcast %mul3A_672 : f32 to vector<32x256xf32>
      %mul3A_674 = arith.mulf %mul3A_673, %add3A_671 : vector<32x256xf32>
      %mul3A_675 = arith.constant 0.707106769 : f32
      %mul3A_676 = vector.broadcast %mul3A_675 : f32 to vector<32x256xf32>
      %mul3A_677 = arith.mulf %add3A_671, %mul3A_676 : vector<32x256xf32>
      %erf3A_678 = math.erf %mul3A_677 : vector<32x256xf32>
      %add3A_679 = arith.constant 1.000000e+00 : f32
      %add3A_680 = vector.broadcast %add3A_679 : f32 to vector<32x256xf32>
      %add3A_681 = arith.addf %add3A_680, %erf3A_678 : vector<32x256xf32>
      %mul3A_682 = arith.mulf %mul3A_674, %add3A_681 : vector<32x256xf32>
      %get3A_683 = arith.constant 6 : index
      %get3A_684 = arith.constant 0 : index
      %get3A_685 = arith.constant 0 : index
      %get3A_686 = vector.load %arg14[%get3A_683, %get3A_684, %get3A_685] : memref<16x256x256xf32, #tpu.memory_space<vmem>>, vector<1x256x256xf32>
      %get3A_687 = vector.shape_cast %get3A_686 : vector<1x256x256xf32> to vector<256x256xf32>
      %dot_general3A_688 = arith.constant dense<0.000000e+00> : vector<32x256xf32>
      %dot_general3A_689 = tpu.matmul %mul3A_682, %get3A_687, %dot_general3A_688 {dimension_numbers = #tpu.dot_dimension_numbers<[1], [0], [0], [1], [0, 0, 1, 1], [], []>, transpose_lhs_hint = false} : vector<32x256xf32>, vector<256x256xf32>, vector<32x256xf32> -> vector<32x256xf32>
      %get3A_690 = arith.constant 6 : index
      %get3A_691 = arith.constant 0 : index
      %get3A_692 = vector.load %arg15[%get3A_690, %get3A_691] : memref<16x256xf32, #tpu.memory_space<vmem>>, vector<1x256xf32>
      %add3A_693 = vector.broadcast %get3A_692 : vector<1x256xf32> to vector<32x256xf32>
      %add3A_694 = arith.addf %dot_general3A_689, %add3A_693 : vector<32x256xf32>
      %get3A_695 = arith.constant 0 : index
      %get3A_696 = arith.constant 0 : index
      %get3A_697 = vector.load %arg16[%get3A_695, %get3A_696] : memref<256x3xf32, #tpu.memory_space<vmem>>, vector<256x3xf32>
      %dot_general3A_698 = arith.constant dense<0.000000e+00> : vector<32x3xf32>
      %dot_general3A_699 = tpu.matmul %add3A_694, %get3A_697, %dot_general3A_698 {dimension_numbers = #tpu.dot_dimension_numbers<[1], [0], [0], [1], [0, 0, 1, 1], [], []>, transpose_lhs_hint = false} : vector<32x256xf32>, vector<256x3xf32>, vector<32x3xf32> -> vector<32x3xf32>
      %get3A_700 = arith.constant 0 : index
      %get3A_701 = vector.load %arg17[%get3A_700] : memref<3xf32, #tpu.memory_space<vmem>>, vector<3xf32>
      %broadcast_in_dim3A_702 = vector.shape_cast %get3A_701 : vector<3xf32> to vector<1x3xf32>
      %add3A_703 = vector.broadcast %broadcast_in_dim3A_702 : vector<1x3xf32> to vector<32x3xf32>
      %add3A_704 = arith.addf %dot_general3A_699, %add3A_703 : vector<32x3xf32>
      %slice3A_705 = vector.extract_strided_slice %div3A_130 {offsets = [0, 6], sizes = [32, 1], strides = [1, 1]} : vector<32x16xf32> to vector<32x1xf32>
      %mul3A_706 = vector.broadcast %slice3A_705 : vector<32x1xf32> to vector<32x3xf32>
      %mul3A_707 = arith.mulf %mul3A_706, %add3A_704 : vector<32x3xf32>
      %add3A_708 = arith.addf %add3A_626, %mul3A_707 : vector<32x3xf32>
      %get3A_709 = arith.constant 7 : index
      %get3A_710 = arith.constant 0 : index
      %get3A_711 = arith.constant 0 : index
      %get3A_712 = vector.load %arg10[%get3A_709, %get3A_710, %get3A_711] : memref<16x1024x256xf32, #tpu.memory_space<vmem>>, vector<1x1024x256xf32>
      %get3A_713 = vector.shape_cast %get3A_712 : vector<1x1024x256xf32> to vector<1024x256xf32>
      %dot_general3A_714 = arith.constant dense<0.000000e+00> : vector<32x256xf32>
      %dot_general3A_715 = tpu.matmul %mul3A_136, %get3A_713, %dot_general3A_714 {dimension_numbers = #tpu.dot_dimension_numbers<[1], [0], [0], [1], [0, 0, 1, 1], [], []>, transpose_lhs_hint = false} : vector<32x1024xf32>, vector<1024x256xf32>, vector<32x256xf32> -> vector<32x256xf32>
      %get3A_716 = arith.constant 7 : index
      %get3A_717 = arith.constant 0 : index
      %get3A_718 = vector.load %arg11[%get3A_716, %get3A_717] : memref<16x256xf32, #tpu.memory_space<vmem>>, vector<1x256xf32>
      %add3A_719 = vector.broadcast %get3A_718 : vector<1x256xf32> to vector<32x256xf32>
      %add3A_720 = arith.addf %dot_general3A_715, %add3A_719 : vector<32x256xf32>
      %reduce_sum3A_721 = arith.constant dense<0.000000e+00> : vector<32xf32>
      %reduce_sum3A_722 = vector.multi_reduction <add>, %add3A_720, %reduce_sum3A_721 [1] : vector<32x256xf32> to vector<32xf32>
      %broadcast_in_dim3A_723 = vector.shape_cast %reduce_sum3A_722 : vector<32xf32> to vector<32x1xf32>
      %div3A_724 = arith.constant 2.560000e+02 : f32
      %div3A_725 = vector.broadcast %div3A_724 : f32 to vector<32x1xf32>
      %div3A_726 = arith.divf %broadcast_in_dim3A_723, %div3A_725 : vector<32x1xf32>
      %sub3A_727 = vector.broadcast %div3A_726 : vector<32x1xf32> to vector<32x256xf32>
      %sub3A_728 = arith.subf %add3A_720, %sub3A_727 : vector<32x256xf32>
      %integer_pow3A_729 = arith.mulf %sub3A_728, %sub3A_728 : vector<32x256xf32>
      %reduce_sum3A_730 = arith.constant dense<0.000000e+00> : vector<32xf32>
      %reduce_sum3A_731 = vector.multi_reduction <add>, %integer_pow3A_729, %reduce_sum3A_730 [1] : vector<32x256xf32> to vector<32xf32>
      %broadcast_in_dim3A_732 = vector.shape_cast %reduce_sum3A_731 : vector<32xf32> to vector<32x1xf32>
      %div3A_733 = arith.constant 2.560000e+02 : f32
      %div3A_734 = vector.broadcast %div3A_733 : f32 to vector<32x1xf32>
      %div3A_735 = arith.divf %broadcast_in_dim3A_732, %div3A_734 : vector<32x1xf32>
      %sub3A_736 = vector.broadcast %div3A_726 : vector<32x1xf32> to vector<32x256xf32>
      %sub3A_737 = arith.subf %add3A_720, %sub3A_736 : vector<32x256xf32>
      %add3A_738 = arith.constant 9.99999974E-6 : f32
      %add3A_739 = vector.broadcast %add3A_738 : f32 to vector<32x1xf32>
      %add3A_740 = arith.addf %div3A_735, %add3A_739 : vector<32x1xf32>
      %sqrt3A_741 = math.sqrt %add3A_740 : vector<32x1xf32>
      %div3A_742 = vector.broadcast %sqrt3A_741 : vector<32x1xf32> to vector<32x256xf32>
      %div3A_743 = arith.divf %sub3A_737, %div3A_742 : vector<32x256xf32>
      %get3A_744 = arith.constant 7 : index
      %get3A_745 = arith.constant 0 : index
      %get3A_746 = vector.load %arg12[%get3A_744, %get3A_745] : memref<16x256xf32, #tpu.memory_space<vmem>>, vector<1x256xf32>
      %mul3A_747 = vector.broadcast %get3A_746 : vector<1x256xf32> to vector<32x256xf32>
      %mul3A_748 = arith.mulf %div3A_743, %mul3A_747 : vector<32x256xf32>
      %get3A_749 = arith.constant 7 : index
      %get3A_750 = arith.constant 0 : index
      %get3A_751 = vector.load %arg13[%get3A_749, %get3A_750] : memref<16x256xf32, #tpu.memory_space<vmem>>, vector<1x256xf32>
      %add3A_752 = vector.broadcast %get3A_751 : vector<1x256xf32> to vector<32x256xf32>
      %add3A_753 = arith.addf %mul3A_748, %add3A_752 : vector<32x256xf32>
      %mul3A_754 = arith.constant 5.000000e-01 : f32
      %mul3A_755 = vector.broadcast %mul3A_754 : f32 to vector<32x256xf32>
      %mul3A_756 = arith.mulf %mul3A_755, %add3A_753 : vector<32x256xf32>
      %mul3A_757 = arith.constant 0.707106769 : f32
      %mul3A_758 = vector.broadcast %mul3A_757 : f32 to vector<32x256xf32>
      %mul3A_759 = arith.mulf %add3A_753, %mul3A_758 : vector<32x256xf32>
      %erf3A_760 = math.erf %mul3A_759 : vector<32x256xf32>
      %add3A_761 = arith.constant 1.000000e+00 : f32
      %add3A_762 = vector.broadcast %add3A_761 : f32 to vector<32x256xf32>
      %add3A_763 = arith.addf %add3A_762, %erf3A_760 : vector<32x256xf32>
      %mul3A_764 = arith.mulf %mul3A_756, %add3A_763 : vector<32x256xf32>
      %get3A_765 = arith.constant 7 : index
      %get3A_766 = arith.constant 0 : index
      %get3A_767 = arith.constant 0 : index
      %get3A_768 = vector.load %arg14[%get3A_765, %get3A_766, %get3A_767] : memref<16x256x256xf32, #tpu.memory_space<vmem>>, vector<1x256x256xf32>
      %get3A_769 = vector.shape_cast %get3A_768 : vector<1x256x256xf32> to vector<256x256xf32>
      %dot_general3A_770 = arith.constant dense<0.000000e+00> : vector<32x256xf32>
      %dot_general3A_771 = tpu.matmul %mul3A_764, %get3A_769, %dot_general3A_770 {dimension_numbers = #tpu.dot_dimension_numbers<[1], [0], [0], [1], [0, 0, 1, 1], [], []>, transpose_lhs_hint = false} : vector<32x256xf32>, vector<256x256xf32>, vector<32x256xf32> -> vector<32x256xf32>
      %get3A_772 = arith.constant 7 : index
      %get3A_773 = arith.constant 0 : index
      %get3A_774 = vector.load %arg15[%get3A_772, %get3A_773] : memref<16x256xf32, #tpu.memory_space<vmem>>, vector<1x256xf32>
      %add3A_775 = vector.broadcast %get3A_774 : vector<1x256xf32> to vector<32x256xf32>
      %add3A_776 = arith.addf %dot_general3A_771, %add3A_775 : vector<32x256xf32>
      %get3A_777 = arith.constant 0 : index
      %get3A_778 = arith.constant 0 : index
      %get3A_779 = vector.load %arg16[%get3A_777, %get3A_778] : memref<256x3xf32, #tpu.memory_space<vmem>>, vector<256x3xf32>
      %dot_general3A_780 = arith.constant dense<0.000000e+00> : vector<32x3xf32>
      %dot_general3A_781 = tpu.matmul %add3A_776, %get3A_779, %dot_general3A_780 {dimension_numbers = #tpu.dot_dimension_numbers<[1], [0], [0], [1], [0, 0, 1, 1], [], []>, transpose_lhs_hint = false} : vector<32x256xf32>, vector<256x3xf32>, vector<32x3xf32> -> vector<32x3xf32>
      %get3A_782 = arith.constant 0 : index
      %get3A_783 = vector.load %arg17[%get3A_782] : memref<3xf32, #tpu.memory_space<vmem>>, vector<3xf32>
      %broadcast_in_dim3A_784 = vector.shape_cast %get3A_783 : vector<3xf32> to vector<1x3xf32>
      %add3A_785 = vector.broadcast %broadcast_in_dim3A_784 : vector<1x3xf32> to vector<32x3xf32>
      %add3A_786 = arith.addf %dot_general3A_781, %add3A_785 : vector<32x3xf32>
      %slice3A_787 = vector.extract_strided_slice %div3A_130 {offsets = [0, 7], sizes = [32, 1], strides = [1, 1]} : vector<32x16xf32> to vector<32x1xf32>
      %mul3A_788 = vector.broadcast %slice3A_787 : vector<32x1xf32> to vector<32x3xf32>
      %mul3A_789 = arith.mulf %mul3A_788, %add3A_786 : vector<32x3xf32>
      %add3A_790 = arith.addf %add3A_708, %mul3A_789 : vector<32x3xf32>
      %get3A_791 = arith.constant 8 : index
      %get3A_792 = arith.constant 0 : index
      %get3A_793 = arith.constant 0 : index
      %get3A_794 = vector.load %arg10[%get3A_791, %get3A_792, %get3A_793] : memref<16x1024x256xf32, #tpu.memory_space<vmem>>, vector<1x1024x256xf32>
      %get3A_795 = vector.shape_cast %get3A_794 : vector<1x1024x256xf32> to vector<1024x256xf32>
      %dot_general3A_796 = arith.constant dense<0.000000e+00> : vector<32x256xf32>
      %dot_general3A_797 = tpu.matmul %mul3A_136, %get3A_795, %dot_general3A_796 {dimension_numbers = #tpu.dot_dimension_numbers<[1], [0], [0], [1], [0, 0, 1, 1], [], []>, transpose_lhs_hint = false} : vector<32x1024xf32>, vector<1024x256xf32>, vector<32x256xf32> -> vector<32x256xf32>
      %get3A_798 = arith.constant 8 : index
      %get3A_799 = arith.constant 0 : index
      %get3A_800 = vector.load %arg11[%get3A_798, %get3A_799] : memref<16x256xf32, #tpu.memory_space<vmem>>, vector<1x256xf32>
      %add3A_801 = vector.broadcast %get3A_800 : vector<1x256xf32> to vector<32x256xf32>
      %add3A_802 = arith.addf %dot_general3A_797, %add3A_801 : vector<32x256xf32>
      %reduce_sum3A_803 = arith.constant dense<0.000000e+00> : vector<32xf32>
      %reduce_sum3A_804 = vector.multi_reduction <add>, %add3A_802, %reduce_sum3A_803 [1] : vector<32x256xf32> to vector<32xf32>
      %broadcast_in_dim3A_805 = vector.shape_cast %reduce_sum3A_804 : vector<32xf32> to vector<32x1xf32>
      %div3A_806 = arith.constant 2.560000e+02 : f32
      %div3A_807 = vector.broadcast %div3A_806 : f32 to vector<32x1xf32>
      %div3A_808 = arith.divf %broadcast_in_dim3A_805, %div3A_807 : vector<32x1xf32>
      %sub3A_809 = vector.broadcast %div3A_808 : vector<32x1xf32> to vector<32x256xf32>
      %sub3A_810 = arith.subf %add3A_802, %sub3A_809 : vector<32x256xf32>
      %integer_pow3A_811 = arith.mulf %sub3A_810, %sub3A_810 : vector<32x256xf32>
      %reduce_sum3A_812 = arith.constant dense<0.000000e+00> : vector<32xf32>
      %reduce_sum3A_813 = vector.multi_reduction <add>, %integer_pow3A_811, %reduce_sum3A_812 [1] : vector<32x256xf32> to vector<32xf32>
      %broadcast_in_dim3A_814 = vector.shape_cast %reduce_sum3A_813 : vector<32xf32> to vector<32x1xf32>
      %div3A_815 = arith.constant 2.560000e+02 : f32
      %div3A_816 = vector.broadcast %div3A_815 : f32 to vector<32x1xf32>
      %div3A_817 = arith.divf %broadcast_in_dim3A_814, %div3A_816 : vector<32x1xf32>
      %sub3A_818 = vector.broadcast %div3A_808 : vector<32x1xf32> to vector<32x256xf32>
      %sub3A_819 = arith.subf %add3A_802, %sub3A_818 : vector<32x256xf32>
      %add3A_820 = arith.constant 9.99999974E-6 : f32
      %add3A_821 = vector.broadcast %add3A_820 : f32 to vector<32x1xf32>
      %add3A_822 = arith.addf %div3A_817, %add3A_821 : vector<32x1xf32>
      %sqrt3A_823 = math.sqrt %add3A_822 : vector<32x1xf32>
      %div3A_824 = vector.broadcast %sqrt3A_823 : vector<32x1xf32> to vector<32x256xf32>
      %div3A_825 = arith.divf %sub3A_819, %div3A_824 : vector<32x256xf32>
      %get3A_826 = arith.constant 8 : index
      %get3A_827 = arith.constant 0 : index
      %get3A_828 = vector.load %arg12[%get3A_826, %get3A_827] : memref<16x256xf32, #tpu.memory_space<vmem>>, vector<1x256xf32>
      %mul3A_829 = vector.broadcast %get3A_828 : vector<1x256xf32> to vector<32x256xf32>
      %mul3A_830 = arith.mulf %div3A_825, %mul3A_829 : vector<32x256xf32>
      %get3A_831 = arith.constant 8 : index
      %get3A_832 = arith.constant 0 : index
      %get3A_833 = vector.load %arg13[%get3A_831, %get3A_832] : memref<16x256xf32, #tpu.memory_space<vmem>>, vector<1x256xf32>
      %add3A_834 = vector.broadcast %get3A_833 : vector<1x256xf32> to vector<32x256xf32>
      %add3A_835 = arith.addf %mul3A_830, %add3A_834 : vector<32x256xf32>
      %mul3A_836 = arith.constant 5.000000e-01 : f32
      %mul3A_837 = vector.broadcast %mul3A_836 : f32 to vector<32x256xf32>
      %mul3A_838 = arith.mulf %mul3A_837, %add3A_835 : vector<32x256xf32>
      %mul3A_839 = arith.constant 0.707106769 : f32
      %mul3A_840 = vector.broadcast %mul3A_839 : f32 to vector<32x256xf32>
      %mul3A_841 = arith.mulf %add3A_835, %mul3A_840 : vector<32x256xf32>
      %erf3A_842 = math.erf %mul3A_841 : vector<32x256xf32>
      %add3A_843 = arith.constant 1.000000e+00 : f32
      %add3A_844 = vector.broadcast %add3A_843 : f32 to vector<32x256xf32>
      %add3A_845 = arith.addf %add3A_844, %erf3A_842 : vector<32x256xf32>
      %mul3A_846 = arith.mulf %mul3A_838, %add3A_845 : vector<32x256xf32>
      %get3A_847 = arith.constant 8 : index
      %get3A_848 = arith.constant 0 : index
      %get3A_849 = arith.constant 0 : index
      %get3A_850 = vector.load %arg14[%get3A_847, %get3A_848, %get3A_849] : memref<16x256x256xf32, #tpu.memory_space<vmem>>, vector<1x256x256xf32>
      %get3A_851 = vector.shape_cast %get3A_850 : vector<1x256x256xf32> to vector<256x256xf32>
      %dot_general3A_852 = arith.constant dense<0.000000e+00> : vector<32x256xf32>
      %dot_general3A_853 = tpu.matmul %mul3A_846, %get3A_851, %dot_general3A_852 {dimension_numbers = #tpu.dot_dimension_numbers<[1], [0], [0], [1], [0, 0, 1, 1], [], []>, transpose_lhs_hint = false} : vector<32x256xf32>, vector<256x256xf32>, vector<32x256xf32> -> vector<32x256xf32>
      %get3A_854 = arith.constant 8 : index
      %get3A_855 = arith.constant 0 : index
      %get3A_856 = vector.load %arg15[%get3A_854, %get3A_855] : memref<16x256xf32, #tpu.memory_space<vmem>>, vector<1x256xf32>
      %add3A_857 = vector.broadcast %get3A_856 : vector<1x256xf32> to vector<32x256xf32>
      %add3A_858 = arith.addf %dot_general3A_853, %add3A_857 : vector<32x256xf32>
      %get3A_859 = arith.constant 0 : index
      %get3A_860 = arith.constant 0 : index
      %get3A_861 = vector.load %arg16[%get3A_859, %get3A_860] : memref<256x3xf32, #tpu.memory_space<vmem>>, vector<256x3xf32>
      %dot_general3A_862 = arith.constant dense<0.000000e+00> : vector<32x3xf32>
      %dot_general3A_863 = tpu.matmul %add3A_858, %get3A_861, %dot_general3A_862 {dimension_numbers = #tpu.dot_dimension_numbers<[1], [0], [0], [1], [0, 0, 1, 1], [], []>, transpose_lhs_hint = false} : vector<32x256xf32>, vector<256x3xf32>, vector<32x3xf32> -> vector<32x3xf32>
      %get3A_864 = arith.constant 0 : index
      %get3A_865 = vector.load %arg17[%get3A_864] : memref<3xf32, #tpu.memory_space<vmem>>, vector<3xf32>
      %broadcast_in_dim3A_866 = vector.shape_cast %get3A_865 : vector<3xf32> to vector<1x3xf32>
      %add3A_867 = vector.broadcast %broadcast_in_dim3A_866 : vector<1x3xf32> to vector<32x3xf32>
      %add3A_868 = arith.addf %dot_general3A_863, %add3A_867 : vector<32x3xf32>
      %slice3A_869 = vector.extract_strided_slice %div3A_130 {offsets = [0, 8], sizes = [32, 1], strides = [1, 1]} : vector<32x16xf32> to vector<32x1xf32>
      %mul3A_870 = vector.broadcast %slice3A_869 : vector<32x1xf32> to vector<32x3xf32>
      %mul3A_871 = arith.mulf %mul3A_870, %add3A_868 : vector<32x3xf32>
      %add3A_872 = arith.addf %add3A_790, %mul3A_871 : vector<32x3xf32>
      %get3A_873 = arith.constant 9 : index
      %get3A_874 = arith.constant 0 : index
      %get3A_875 = arith.constant 0 : index
      %get3A_876 = vector.load %arg10[%get3A_873, %get3A_874, %get3A_875] : memref<16x1024x256xf32, #tpu.memory_space<vmem>>, vector<1x1024x256xf32>
      %get3A_877 = vector.shape_cast %get3A_876 : vector<1x1024x256xf32> to vector<1024x256xf32>
      %dot_general3A_878 = arith.constant dense<0.000000e+00> : vector<32x256xf32>
      %dot_general3A_879 = tpu.matmul %mul3A_136, %get3A_877, %dot_general3A_878 {dimension_numbers = #tpu.dot_dimension_numbers<[1], [0], [0], [1], [0, 0, 1, 1], [], []>, transpose_lhs_hint = false} : vector<32x1024xf32>, vector<1024x256xf32>, vector<32x256xf32> -> vector<32x256xf32>
      %get3A_880 = arith.constant 9 : index
      %get3A_881 = arith.constant 0 : index
      %get3A_882 = vector.load %arg11[%get3A_880, %get3A_881] : memref<16x256xf32, #tpu.memory_space<vmem>>, vector<1x256xf32>
      %add3A_883 = vector.broadcast %get3A_882 : vector<1x256xf32> to vector<32x256xf32>
      %add3A_884 = arith.addf %dot_general3A_879, %add3A_883 : vector<32x256xf32>
      %reduce_sum3A_885 = arith.constant dense<0.000000e+00> : vector<32xf32>
      %reduce_sum3A_886 = vector.multi_reduction <add>, %add3A_884, %reduce_sum3A_885 [1] : vector<32x256xf32> to vector<32xf32>
      %broadcast_in_dim3A_887 = vector.shape_cast %reduce_sum3A_886 : vector<32xf32> to vector<32x1xf32>
      %div3A_888 = arith.constant 2.560000e+02 : f32
      %div3A_889 = vector.broadcast %div3A_888 : f32 to vector<32x1xf32>
      %div3A_890 = arith.divf %broadcast_in_dim3A_887, %div3A_889 : vector<32x1xf32>
      %sub3A_891 = vector.broadcast %div3A_890 : vector<32x1xf32> to vector<32x256xf32>
      %sub3A_892 = arith.subf %add3A_884, %sub3A_891 : vector<32x256xf32>
      %integer_pow3A_893 = arith.mulf %sub3A_892, %sub3A_892 : vector<32x256xf32>
      %reduce_sum3A_894 = arith.constant dense<0.000000e+00> : vector<32xf32>
      %reduce_sum3A_895 = vector.multi_reduction <add>, %integer_pow3A_893, %reduce_sum3A_894 [1] : vector<32x256xf32> to vector<32xf32>
      %broadcast_in_dim3A_896 = vector.shape_cast %reduce_sum3A_895 : vector<32xf32> to vector<32x1xf32>
      %div3A_897 = arith.constant 2.560000e+02 : f32
      %div3A_898 = vector.broadcast %div3A_897 : f32 to vector<32x1xf32>
      %div3A_899 = arith.divf %broadcast_in_dim3A_896, %div3A_898 : vector<32x1xf32>
      %sub3A_900 = vector.broadcast %div3A_890 : vector<32x1xf32> to vector<32x256xf32>
      %sub3A_901 = arith.subf %add3A_884, %sub3A_900 : vector<32x256xf32>
      %add3A_902 = arith.constant 9.99999974E-6 : f32
      %add3A_903 = vector.broadcast %add3A_902 : f32 to vector<32x1xf32>
      %add3A_904 = arith.addf %div3A_899, %add3A_903 : vector<32x1xf32>
      %sqrt3A_905 = math.sqrt %add3A_904 : vector<32x1xf32>
      %div3A_906 = vector.broadcast %sqrt3A_905 : vector<32x1xf32> to vector<32x256xf32>
      %div3A_907 = arith.divf %sub3A_901, %div3A_906 : vector<32x256xf32>
      %get3A_908 = arith.constant 9 : index
      %get3A_909 = arith.constant 0 : index
      %get3A_910 = vector.load %arg12[%get3A_908, %get3A_909] : memref<16x256xf32, #tpu.memory_space<vmem>>, vector<1x256xf32>
      %mul3A_911 = vector.broadcast %get3A_910 : vector<1x256xf32> to vector<32x256xf32>
      %mul3A_912 = arith.mulf %div3A_907, %mul3A_911 : vector<32x256xf32>
      %get3A_913 = arith.constant 9 : index
      %get3A_914 = arith.constant 0 : index
      %get3A_915 = vector.load %arg13[%get3A_913, %get3A_914] : memref<16x256xf32, #tpu.memory_space<vmem>>, vector<1x256xf32>
      %add3A_916 = vector.broadcast %get3A_915 : vector<1x256xf32> to vector<32x256xf32>
      %add3A_917 = arith.addf %mul3A_912, %add3A_916 : vector<32x256xf32>
      %mul3A_918 = arith.constant 5.000000e-01 : f32
      %mul3A_919 = vector.broadcast %mul3A_918 : f32 to vector<32x256xf32>
      %mul3A_920 = arith.mulf %mul3A_919, %add3A_917 : vector<32x256xf32>
      %mul3A_921 = arith.constant 0.707106769 : f32
      %mul3A_922 = vector.broadcast %mul3A_921 : f32 to vector<32x256xf32>
      %mul3A_923 = arith.mulf %add3A_917, %mul3A_922 : vector<32x256xf32>
      %erf3A_924 = math.erf %mul3A_923 : vector<32x256xf32>
      %add3A_925 = arith.constant 1.000000e+00 : f32
      %add3A_926 = vector.broadcast %add3A_925 : f32 to vector<32x256xf32>
      %add3A_927 = arith.addf %add3A_926, %erf3A_924 : vector<32x256xf32>
      %mul3A_928 = arith.mulf %mul3A_920, %add3A_927 : vector<32x256xf32>
      %get3A_929 = arith.constant 9 : index
      %get3A_930 = arith.constant 0 : index
      %get3A_931 = arith.constant 0 : index
      %get3A_932 = vector.load %arg14[%get3A_929, %get3A_930, %get3A_931] : memref<16x256x256xf32, #tpu.memory_space<vmem>>, vector<1x256x256xf32>
      %get3A_933 = vector.shape_cast %get3A_932 : vector<1x256x256xf32> to vector<256x256xf32>
      %dot_general3A_934 = arith.constant dense<0.000000e+00> : vector<32x256xf32>
      %dot_general3A_935 = tpu.matmul %mul3A_928, %get3A_933, %dot_general3A_934 {dimension_numbers = #tpu.dot_dimension_numbers<[1], [0], [0], [1], [0, 0, 1, 1], [], []>, transpose_lhs_hint = false} : vector<32x256xf32>, vector<256x256xf32>, vector<32x256xf32> -> vector<32x256xf32>
      %get3A_936 = arith.constant 9 : index
      %get3A_937 = arith.constant 0 : index
      %get3A_938 = vector.load %arg15[%get3A_936, %get3A_937] : memref<16x256xf32, #tpu.memory_space<vmem>>, vector<1x256xf32>
      %add3A_939 = vector.broadcast %get3A_938 : vector<1x256xf32> to vector<32x256xf32>
      %add3A_940 = arith.addf %dot_general3A_935, %add3A_939 : vector<32x256xf32>
      %get3A_941 = arith.constant 0 : index
      %get3A_942 = arith.constant 0 : index
      %get3A_943 = vector.load %arg16[%get3A_941, %get3A_942] : memref<256x3xf32, #tpu.memory_space<vmem>>, vector<256x3xf32>
      %dot_general3A_944 = arith.constant dense<0.000000e+00> : vector<32x3xf32>
      %dot_general3A_945 = tpu.matmul %add3A_940, %get3A_943, %dot_general3A_944 {dimension_numbers = #tpu.dot_dimension_numbers<[1], [0], [0], [1], [0, 0, 1, 1], [], []>, transpose_lhs_hint = false} : vector<32x256xf32>, vector<256x3xf32>, vector<32x3xf32> -> vector<32x3xf32>
      %get3A_946 = arith.constant 0 : index
      %get3A_947 = vector.load %arg17[%get3A_946] : memref<3xf32, #tpu.memory_space<vmem>>, vector<3xf32>
      %broadcast_in_dim3A_948 = vector.shape_cast %get3A_947 : vector<3xf32> to vector<1x3xf32>
      %add3A_949 = vector.broadcast %broadcast_in_dim3A_948 : vector<1x3xf32> to vector<32x3xf32>
      %add3A_950 = arith.addf %dot_general3A_945, %add3A_949 : vector<32x3xf32>
      %slice3A_951 = vector.extract_strided_slice %div3A_130 {offsets = [0, 9], sizes = [32, 1], strides = [1, 1]} : vector<32x16xf32> to vector<32x1xf32>
      %mul3A_952 = vector.broadcast %slice3A_951 : vector<32x1xf32> to vector<32x3xf32>
      %mul3A_953 = arith.mulf %mul3A_952, %add3A_950 : vector<32x3xf32>
      %add3A_954 = arith.addf %add3A_872, %mul3A_953 : vector<32x3xf32>
      %get3A_955 = arith.constant 10 : index
      %get3A_956 = arith.constant 0 : index
      %get3A_957 = arith.constant 0 : index
      %get3A_958 = vector.load %arg10[%get3A_955, %get3A_956, %get3A_957] : memref<16x1024x256xf32, #tpu.memory_space<vmem>>, vector<1x1024x256xf32>
      %get3A_959 = vector.shape_cast %get3A_958 : vector<1x1024x256xf32> to vector<1024x256xf32>
      %dot_general3A_960 = arith.constant dense<0.000000e+00> : vector<32x256xf32>
      %dot_general3A_961 = tpu.matmul %mul3A_136, %get3A_959, %dot_general3A_960 {dimension_numbers = #tpu.dot_dimension_numbers<[1], [0], [0], [1], [0, 0, 1, 1], [], []>, transpose_lhs_hint = false} : vector<32x1024xf32>, vector<1024x256xf32>, vector<32x256xf32> -> vector<32x256xf32>
      %get3A_962 = arith.constant 10 : index
      %get3A_963 = arith.constant 0 : index
      %get3A_964 = vector.load %arg11[%get3A_962, %get3A_963] : memref<16x256xf32, #tpu.memory_space<vmem>>, vector<1x256xf32>
      %add3A_965 = vector.broadcast %get3A_964 : vector<1x256xf32> to vector<32x256xf32>
      %add3A_966 = arith.addf %dot_general3A_961, %add3A_965 : vector<32x256xf32>
      %reduce_sum3A_967 = arith.constant dense<0.000000e+00> : vector<32xf32>
      %reduce_sum3A_968 = vector.multi_reduction <add>, %add3A_966, %reduce_sum3A_967 [1] : vector<32x256xf32> to vector<32xf32>
      %broadcast_in_dim3A_969 = vector.shape_cast %reduce_sum3A_968 : vector<32xf32> to vector<32x1xf32>
      %div3A_970 = arith.constant 2.560000e+02 : f32
      %div3A_971 = vector.broadcast %div3A_970 : f32 to vector<32x1xf32>
      %div3A_972 = arith.divf %broadcast_in_dim3A_969, %div3A_971 : vector<32x1xf32>
      %sub3A_973 = vector.broadcast %div3A_972 : vector<32x1xf32> to vector<32x256xf32>
      %sub3A_974 = arith.subf %add3A_966, %sub3A_973 : vector<32x256xf32>
      %integer_pow3A_975 = arith.mulf %sub3A_974, %sub3A_974 : vector<32x256xf32>
      %reduce_sum3A_976 = arith.constant dense<0.000000e+00> : vector<32xf32>
      %reduce_sum3A_977 = vector.multi_reduction <add>, %integer_pow3A_975, %reduce_sum3A_976 [1] : vector<32x256xf32> to vector<32xf32>
      %broadcast_in_dim3A_978 = vector.shape_cast %reduce_sum3A_977 : vector<32xf32> to vector<32x1xf32>
      %div3A_979 = arith.constant 2.560000e+02 : f32
      %div3A_980 = vector.broadcast %div3A_979 : f32 to vector<32x1xf32>
      %div3A_981 = arith.divf %broadcast_in_dim3A_978, %div3A_980 : vector<32x1xf32>
      %sub3A_982 = vector.broadcast %div3A_972 : vector<32x1xf32> to vector<32x256xf32>
      %sub3A_983 = arith.subf %add3A_966, %sub3A_982 : vector<32x256xf32>
      %add3A_984 = arith.constant 9.99999974E-6 : f32
      %add3A_985 = vector.broadcast %add3A_984 : f32 to vector<32x1xf32>
      %add3A_986 = arith.addf %div3A_981, %add3A_985 : vector<32x1xf32>
      %sqrt3A_987 = math.sqrt %add3A_986 : vector<32x1xf32>
      %div3A_988 = vector.broadcast %sqrt3A_987 : vector<32x1xf32> to vector<32x256xf32>
      %div3A_989 = arith.divf %sub3A_983, %div3A_988 : vector<32x256xf32>
      %get3A_990 = arith.constant 10 : index
      %get3A_991 = arith.constant 0 : index
      %get3A_992 = vector.load %arg12[%get3A_990, %get3A_991] : memref<16x256xf32, #tpu.memory_space<vmem>>, vector<1x256xf32>
      %mul3A_993 = vector.broadcast %get3A_992 : vector<1x256xf32> to vector<32x256xf32>
      %mul3A_994 = arith.mulf %div3A_989, %mul3A_993 : vector<32x256xf32>
      %get3A_995 = arith.constant 10 : index
      %get3A_996 = arith.constant 0 : index
      %get3A_997 = vector.load %arg13[%get3A_995, %get3A_996] : memref<16x256xf32, #tpu.memory_space<vmem>>, vector<1x256xf32>
      %add3A_998 = vector.broadcast %get3A_997 : vector<1x256xf32> to vector<32x256xf32>
      %add3A_999 = arith.addf %mul3A_994, %add3A_998 : vector<32x256xf32>
      %mul3A_1000 = arith.constant 5.000000e-01 : f32
      %mul3A_1001 = vector.broadcast %mul3A_1000 : f32 to vector<32x256xf32>
      %mul3A_1002 = arith.mulf %mul3A_1001, %add3A_999 : vector<32x256xf32>
      %mul3A_1003 = arith.constant 0.707106769 : f32
      %mul3A_1004 = vector.broadcast %mul3A_1003 : f32 to vector<32x256xf32>
      %mul3A_1005 = arith.mulf %add3A_999, %mul3A_1004 : vector<32x256xf32>
      %erf3A_1006 = math.erf %mul3A_1005 : vector<32x256xf32>
      %add3A_1007 = arith.constant 1.000000e+00 : f32
      %add3A_1008 = vector.broadcast %add3A_1007 : f32 to vector<32x256xf32>
      %add3A_1009 = arith.addf %add3A_1008, %erf3A_1006 : vector<32x256xf32>
      %mul3A_1010 = arith.mulf %mul3A_1002, %add3A_1009 : vector<32x256xf32>
      %get3A_1011 = arith.constant 10 : index
      %get3A_1012 = arith.constant 0 : index
      %get3A_1013 = arith.constant 0 : index
      %get3A_1014 = vector.load %arg14[%get3A_1011, %get3A_1012, %get3A_1013] : memref<16x256x256xf32, #tpu.memory_space<vmem>>, vector<1x256x256xf32>
      %get3A_1015 = vector.shape_cast %get3A_1014 : vector<1x256x256xf32> to vector<256x256xf32>
      %dot_general3A_1016 = arith.constant dense<0.000000e+00> : vector<32x256xf32>
      %dot_general3A_1017 = tpu.matmul %mul3A_1010, %get3A_1015, %dot_general3A_1016 {dimension_numbers = #tpu.dot_dimension_numbers<[1], [0], [0], [1], [0, 0, 1, 1], [], []>, transpose_lhs_hint = false} : vector<32x256xf32>, vector<256x256xf32>, vector<32x256xf32> -> vector<32x256xf32>
      %get3A_1018 = arith.constant 10 : index
      %get3A_1019 = arith.constant 0 : index
      %get3A_1020 = vector.load %arg15[%get3A_1018, %get3A_1019] : memref<16x256xf32, #tpu.memory_space<vmem>>, vector<1x256xf32>
      %add3A_1021 = vector.broadcast %get3A_1020 : vector<1x256xf32> to vector<32x256xf32>
      %add3A_1022 = arith.addf %dot_general3A_1017, %add3A_1021 : vector<32x256xf32>
      %get3A_1023 = arith.constant 0 : index
      %get3A_1024 = arith.constant 0 : index
      %get3A_1025 = vector.load %arg16[%get3A_1023, %get3A_1024] : memref<256x3xf32, #tpu.memory_space<vmem>>, vector<256x3xf32>
      %dot_general3A_1026 = arith.constant dense<0.000000e+00> : vector<32x3xf32>
      %dot_general3A_1027 = tpu.matmul %add3A_1022, %get3A_1025, %dot_general3A_1026 {dimension_numbers = #tpu.dot_dimension_numbers<[1], [0], [0], [1], [0, 0, 1, 1], [], []>, transpose_lhs_hint = false} : vector<32x256xf32>, vector<256x3xf32>, vector<32x3xf32> -> vector<32x3xf32>
      %get3A_1028 = arith.constant 0 : index
      %get3A_1029 = vector.load %arg17[%get3A_1028] : memref<3xf32, #tpu.memory_space<vmem>>, vector<3xf32>
      %broadcast_in_dim3A_1030 = vector.shape_cast %get3A_1029 : vector<3xf32> to vector<1x3xf32>
      %add3A_1031 = vector.broadcast %broadcast_in_dim3A_1030 : vector<1x3xf32> to vector<32x3xf32>
      %add3A_1032 = arith.addf %dot_general3A_1027, %add3A_1031 : vector<32x3xf32>
      %slice3A_1033 = vector.extract_strided_slice %div3A_130 {offsets = [0, 10], sizes = [32, 1], strides = [1, 1]} : vector<32x16xf32> to vector<32x1xf32>
      %mul3A_1034 = vector.broadcast %slice3A_1033 : vector<32x1xf32> to vector<32x3xf32>
      %mul3A_1035 = arith.mulf %mul3A_1034, %add3A_1032 : vector<32x3xf32>
      %add3A_1036 = arith.addf %add3A_954, %mul3A_1035 : vector<32x3xf32>
      %get3A_1037 = arith.constant 11 : index
      %get3A_1038 = arith.constant 0 : index
      %get3A_1039 = arith.constant 0 : index
      %get3A_1040 = vector.load %arg10[%get3A_1037, %get3A_1038, %get3A_1039] : memref<16x1024x256xf32, #tpu.memory_space<vmem>>, vector<1x1024x256xf32>
      %get3A_1041 = vector.shape_cast %get3A_1040 : vector<1x1024x256xf32> to vector<1024x256xf32>
      %dot_general3A_1042 = arith.constant dense<0.000000e+00> : vector<32x256xf32>
      %dot_general3A_1043 = tpu.matmul %mul3A_136, %get3A_1041, %dot_general3A_1042 {dimension_numbers = #tpu.dot_dimension_numbers<[1], [0], [0], [1], [0, 0, 1, 1], [], []>, transpose_lhs_hint = false} : vector<32x1024xf32>, vector<1024x256xf32>, vector<32x256xf32> -> vector<32x256xf32>
      %get3A_1044 = arith.constant 11 : index
      %get3A_1045 = arith.constant 0 : index
      %get3A_1046 = vector.load %arg11[%get3A_1044, %get3A_1045] : memref<16x256xf32, #tpu.memory_space<vmem>>, vector<1x256xf32>
      %add3A_1047 = vector.broadcast %get3A_1046 : vector<1x256xf32> to vector<32x256xf32>
      %add3A_1048 = arith.addf %dot_general3A_1043, %add3A_1047 : vector<32x256xf32>
      %reduce_sum3A_1049 = arith.constant dense<0.000000e+00> : vector<32xf32>
      %reduce_sum3A_1050 = vector.multi_reduction <add>, %add3A_1048, %reduce_sum3A_1049 [1] : vector<32x256xf32> to vector<32xf32>
      %broadcast_in_dim3A_1051 = vector.shape_cast %reduce_sum3A_1050 : vector<32xf32> to vector<32x1xf32>
      %div3A_1052 = arith.constant 2.560000e+02 : f32
      %div3A_1053 = vector.broadcast %div3A_1052 : f32 to vector<32x1xf32>
      %div3A_1054 = arith.divf %broadcast_in_dim3A_1051, %div3A_1053 : vector<32x1xf32>
      %sub3A_1055 = vector.broadcast %div3A_1054 : vector<32x1xf32> to vector<32x256xf32>
      %sub3A_1056 = arith.subf %add3A_1048, %sub3A_1055 : vector<32x256xf32>
      %integer_pow3A_1057 = arith.mulf %sub3A_1056, %sub3A_1056 : vector<32x256xf32>
      %reduce_sum3A_1058 = arith.constant dense<0.000000e+00> : vector<32xf32>
      %reduce_sum3A_1059 = vector.multi_reduction <add>, %integer_pow3A_1057, %reduce_sum3A_1058 [1] : vector<32x256xf32> to vector<32xf32>
      %broadcast_in_dim3A_1060 = vector.shape_cast %reduce_sum3A_1059 : vector<32xf32> to vector<32x1xf32>
      %div3A_1061 = arith.constant 2.560000e+02 : f32
      %div3A_1062 = vector.broadcast %div3A_1061 : f32 to vector<32x1xf32>
      %div3A_1063 = arith.divf %broadcast_in_dim3A_1060, %div3A_1062 : vector<32x1xf32>
      %sub3A_1064 = vector.broadcast %div3A_1054 : vector<32x1xf32> to vector<32x256xf32>
      %sub3A_1065 = arith.subf %add3A_1048, %sub3A_1064 : vector<32x256xf32>
      %add3A_1066 = arith.constant 9.99999974E-6 : f32
      %add3A_1067 = vector.broadcast %add3A_1066 : f32 to vector<32x1xf32>
      %add3A_1068 = arith.addf %div3A_1063, %add3A_1067 : vector<32x1xf32>
      %sqrt3A_1069 = math.sqrt %add3A_1068 : vector<32x1xf32>
      %div3A_1070 = vector.broadcast %sqrt3A_1069 : vector<32x1xf32> to vector<32x256xf32>
      %div3A_1071 = arith.divf %sub3A_1065, %div3A_1070 : vector<32x256xf32>
      %get3A_1072 = arith.constant 11 : index
      %get3A_1073 = arith.constant 0 : index
      %get3A_1074 = vector.load %arg12[%get3A_1072, %get3A_1073] : memref<16x256xf32, #tpu.memory_space<vmem>>, vector<1x256xf32>
      %mul3A_1075 = vector.broadcast %get3A_1074 : vector<1x256xf32> to vector<32x256xf32>
      %mul3A_1076 = arith.mulf %div3A_1071, %mul3A_1075 : vector<32x256xf32>
      %get3A_1077 = arith.constant 11 : index
      %get3A_1078 = arith.constant 0 : index
      %get3A_1079 = vector.load %arg13[%get3A_1077, %get3A_1078] : memref<16x256xf32, #tpu.memory_space<vmem>>, vector<1x256xf32>
      %add3A_1080 = vector.broadcast %get3A_1079 : vector<1x256xf32> to vector<32x256xf32>
      %add3A_1081 = arith.addf %mul3A_1076, %add3A_1080 : vector<32x256xf32>
      %mul3A_1082 = arith.constant 5.000000e-01 : f32
      %mul3A_1083 = vector.broadcast %mul3A_1082 : f32 to vector<32x256xf32>
      %mul3A_1084 = arith.mulf %mul3A_1083, %add3A_1081 : vector<32x256xf32>
      %mul3A_1085 = arith.constant 0.707106769 : f32
      %mul3A_1086 = vector.broadcast %mul3A_1085 : f32 to vector<32x256xf32>
      %mul3A_1087 = arith.mulf %add3A_1081, %mul3A_1086 : vector<32x256xf32>
      %erf3A_1088 = math.erf %mul3A_1087 : vector<32x256xf32>
      %add3A_1089 = arith.constant 1.000000e+00 : f32
      %add3A_1090 = vector.broadcast %add3A_1089 : f32 to vector<32x256xf32>
      %add3A_1091 = arith.addf %add3A_1090, %erf3A_1088 : vector<32x256xf32>
      %mul3A_1092 = arith.mulf %mul3A_1084, %add3A_1091 : vector<32x256xf32>
      %get3A_1093 = arith.constant 11 : index
      %get3A_1094 = arith.constant 0 : index
      %get3A_1095 = arith.constant 0 : index
      %get3A_1096 = vector.load %arg14[%get3A_1093, %get3A_1094, %get3A_1095] : memref<16x256x256xf32, #tpu.memory_space<vmem>>, vector<1x256x256xf32>
      %get3A_1097 = vector.shape_cast %get3A_1096 : vector<1x256x256xf32> to vector<256x256xf32>
      %dot_general3A_1098 = arith.constant dense<0.000000e+00> : vector<32x256xf32>
      %dot_general3A_1099 = tpu.matmul %mul3A_1092, %get3A_1097, %dot_general3A_1098 {dimension_numbers = #tpu.dot_dimension_numbers<[1], [0], [0], [1], [0, 0, 1, 1], [], []>, transpose_lhs_hint = false} : vector<32x256xf32>, vector<256x256xf32>, vector<32x256xf32> -> vector<32x256xf32>
      %get3A_1100 = arith.constant 11 : index
      %get3A_1101 = arith.constant 0 : index
      %get3A_1102 = vector.load %arg15[%get3A_1100, %get3A_1101] : memref<16x256xf32, #tpu.memory_space<vmem>>, vector<1x256xf32>
      %add3A_1103 = vector.broadcast %get3A_1102 : vector<1x256xf32> to vector<32x256xf32>
      %add3A_1104 = arith.addf %dot_general3A_1099, %add3A_1103 : vector<32x256xf32>
      %get3A_1105 = arith.constant 0 : index
      %get3A_1106 = arith.constant 0 : index
      %get3A_1107 = vector.load %arg16[%get3A_1105, %get3A_1106] : memref<256x3xf32, #tpu.memory_space<vmem>>, vector<256x3xf32>
      %dot_general3A_1108 = arith.constant dense<0.000000e+00> : vector<32x3xf32>
      %dot_general3A_1109 = tpu.matmul %add3A_1104, %get3A_1107, %dot_general3A_1108 {dimension_numbers = #tpu.dot_dimension_numbers<[1], [0], [0], [1], [0, 0, 1, 1], [], []>, transpose_lhs_hint = false} : vector<32x256xf32>, vector<256x3xf32>, vector<32x3xf32> -> vector<32x3xf32>
      %get3A_1110 = arith.constant 0 : index
      %get3A_1111 = vector.load %arg17[%get3A_1110] : memref<3xf32, #tpu.memory_space<vmem>>, vector<3xf32>
      %broadcast_in_dim3A_1112 = vector.shape_cast %get3A_1111 : vector<3xf32> to vector<1x3xf32>
      %add3A_1113 = vector.broadcast %broadcast_in_dim3A_1112 : vector<1x3xf32> to vector<32x3xf32>
      %add3A_1114 = arith.addf %dot_general3A_1109, %add3A_1113 : vector<32x3xf32>
      %slice3A_1115 = vector.extract_strided_slice %div3A_130 {offsets = [0, 11], sizes = [32, 1], strides = [1, 1]} : vector<32x16xf32> to vector<32x1xf32>
      %mul3A_1116 = vector.broadcast %slice3A_1115 : vector<32x1xf32> to vector<32x3xf32>
      %mul3A_1117 = arith.mulf %mul3A_1116, %add3A_1114 : vector<32x3xf32>
      %add3A_1118 = arith.addf %add3A_1036, %mul3A_1117 : vector<32x3xf32>
      %get3A_1119 = arith.constant 12 : index
      %get3A_1120 = arith.constant 0 : index
      %get3A_1121 = arith.constant 0 : index
      %get3A_1122 = vector.load %arg10[%get3A_1119, %get3A_1120, %get3A_1121] : memref<16x1024x256xf32, #tpu.memory_space<vmem>>, vector<1x1024x256xf32>
      %get3A_1123 = vector.shape_cast %get3A_1122 : vector<1x1024x256xf32> to vector<1024x256xf32>
      %dot_general3A_1124 = arith.constant dense<0.000000e+00> : vector<32x256xf32>
      %dot_general3A_1125 = tpu.matmul %mul3A_136, %get3A_1123, %dot_general3A_1124 {dimension_numbers = #tpu.dot_dimension_numbers<[1], [0], [0], [1], [0, 0, 1, 1], [], []>, transpose_lhs_hint = false} : vector<32x1024xf32>, vector<1024x256xf32>, vector<32x256xf32> -> vector<32x256xf32>
      %get3A_1126 = arith.constant 12 : index
      %get3A_1127 = arith.constant 0 : index
      %get3A_1128 = vector.load %arg11[%get3A_1126, %get3A_1127] : memref<16x256xf32, #tpu.memory_space<vmem>>, vector<1x256xf32>
      %add3A_1129 = vector.broadcast %get3A_1128 : vector<1x256xf32> to vector<32x256xf32>
      %add3A_1130 = arith.addf %dot_general3A_1125, %add3A_1129 : vector<32x256xf32>
      %reduce_sum3A_1131 = arith.constant dense<0.000000e+00> : vector<32xf32>
      %reduce_sum3A_1132 = vector.multi_reduction <add>, %add3A_1130, %reduce_sum3A_1131 [1] : vector<32x256xf32> to vector<32xf32>
      %broadcast_in_dim3A_1133 = vector.shape_cast %reduce_sum3A_1132 : vector<32xf32> to vector<32x1xf32>
      %div3A_1134 = arith.constant 2.560000e+02 : f32
      %div3A_1135 = vector.broadcast %div3A_1134 : f32 to vector<32x1xf32>
      %div3A_1136 = arith.divf %broadcast_in_dim3A_1133, %div3A_1135 : vector<32x1xf32>
      %sub3A_1137 = vector.broadcast %div3A_1136 : vector<32x1xf32> to vector<32x256xf32>
      %sub3A_1138 = arith.subf %add3A_1130, %sub3A_1137 : vector<32x256xf32>
      %integer_pow3A_1139 = arith.mulf %sub3A_1138, %sub3A_1138 : vector<32x256xf32>
      %reduce_sum3A_1140 = arith.constant dense<0.000000e+00> : vector<32xf32>
      %reduce_sum3A_1141 = vector.multi_reduction <add>, %integer_pow3A_1139, %reduce_sum3A_1140 [1] : vector<32x256xf32> to vector<32xf32>
      %broadcast_in_dim3A_1142 = vector.shape_cast %reduce_sum3A_1141 : vector<32xf32> to vector<32x1xf32>
      %div3A_1143 = arith.constant 2.560000e+02 : f32
      %div3A_1144 = vector.broadcast %div3A_1143 : f32 to vector<32x1xf32>
      %div3A_1145 = arith.divf %broadcast_in_dim3A_1142, %div3A_1144 : vector<32x1xf32>
      %sub3A_1146 = vector.broadcast %div3A_1136 : vector<32x1xf32> to vector<32x256xf32>
      %sub3A_1147 = arith.subf %add3A_1130, %sub3A_1146 : vector<32x256xf32>
      %add3A_1148 = arith.constant 9.99999974E-6 : f32
      %add3A_1149 = vector.broadcast %add3A_1148 : f32 to vector<32x1xf32>
      %add3A_1150 = arith.addf %div3A_1145, %add3A_1149 : vector<32x1xf32>
      %sqrt3A_1151 = math.sqrt %add3A_1150 : vector<32x1xf32>
      %div3A_1152 = vector.broadcast %sqrt3A_1151 : vector<32x1xf32> to vector<32x256xf32>
      %div3A_1153 = arith.divf %sub3A_1147, %div3A_1152 : vector<32x256xf32>
      %get3A_1154 = arith.constant 12 : index
      %get3A_1155 = arith.constant 0 : index
      %get3A_1156 = vector.load %arg12[%get3A_1154, %get3A_1155] : memref<16x256xf32, #tpu.memory_space<vmem>>, vector<1x256xf32>
      %mul3A_1157 = vector.broadcast %get3A_1156 : vector<1x256xf32> to vector<32x256xf32>
      %mul3A_1158 = arith.mulf %div3A_1153, %mul3A_1157 : vector<32x256xf32>
      %get3A_1159 = arith.constant 12 : index
      %get3A_1160 = arith.constant 0 : index
      %get3A_1161 = vector.load %arg13[%get3A_1159, %get3A_1160] : memref<16x256xf32, #tpu.memory_space<vmem>>, vector<1x256xf32>
      %add3A_1162 = vector.broadcast %get3A_1161 : vector<1x256xf32> to vector<32x256xf32>
      %add3A_1163 = arith.addf %mul3A_1158, %add3A_1162 : vector<32x256xf32>
      %mul3A_1164 = arith.constant 5.000000e-01 : f32
      %mul3A_1165 = vector.broadcast %mul3A_1164 : f32 to vector<32x256xf32>
      %mul3A_1166 = arith.mulf %mul3A_1165, %add3A_1163 : vector<32x256xf32>
      %mul3A_1167 = arith.constant 0.707106769 : f32
      %mul3A_1168 = vector.broadcast %mul3A_1167 : f32 to vector<32x256xf32>
      %mul3A_1169 = arith.mulf %add3A_1163, %mul3A_1168 : vector<32x256xf32>
      %erf3A_1170 = math.erf %mul3A_1169 : vector<32x256xf32>
      %add3A_1171 = arith.constant 1.000000e+00 : f32
      %add3A_1172 = vector.broadcast %add3A_1171 : f32 to vector<32x256xf32>
      %add3A_1173 = arith.addf %add3A_1172, %erf3A_1170 : vector<32x256xf32>
      %mul3A_1174 = arith.mulf %mul3A_1166, %add3A_1173 : vector<32x256xf32>
      %get3A_1175 = arith.constant 12 : index
      %get3A_1176 = arith.constant 0 : index
      %get3A_1177 = arith.constant 0 : index
      %get3A_1178 = vector.load %arg14[%get3A_1175, %get3A_1176, %get3A_1177] : memref<16x256x256xf32, #tpu.memory_space<vmem>>, vector<1x256x256xf32>
      %get3A_1179 = vector.shape_cast %get3A_1178 : vector<1x256x256xf32> to vector<256x256xf32>
      %dot_general3A_1180 = arith.constant dense<0.000000e+00> : vector<32x256xf32>
      %dot_general3A_1181 = tpu.matmul %mul3A_1174, %get3A_1179, %dot_general3A_1180 {dimension_numbers = #tpu.dot_dimension_numbers<[1], [0], [0], [1], [0, 0, 1, 1], [], []>, transpose_lhs_hint = false} : vector<32x256xf32>, vector<256x256xf32>, vector<32x256xf32> -> vector<32x256xf32>
      %get3A_1182 = arith.constant 12 : index
      %get3A_1183 = arith.constant 0 : index
      %get3A_1184 = vector.load %arg15[%get3A_1182, %get3A_1183] : memref<16x256xf32, #tpu.memory_space<vmem>>, vector<1x256xf32>
      %add3A_1185 = vector.broadcast %get3A_1184 : vector<1x256xf32> to vector<32x256xf32>
      %add3A_1186 = arith.addf %dot_general3A_1181, %add3A_1185 : vector<32x256xf32>
      %get3A_1187 = arith.constant 0 : index
      %get3A_1188 = arith.constant 0 : index
      %get3A_1189 = vector.load %arg16[%get3A_1187, %get3A_1188] : memref<256x3xf32, #tpu.memory_space<vmem>>, vector<256x3xf32>
      %dot_general3A_1190 = arith.constant dense<0.000000e+00> : vector<32x3xf32>
      %dot_general3A_1191 = tpu.matmul %add3A_1186, %get3A_1189, %dot_general3A_1190 {dimension_numbers = #tpu.dot_dimension_numbers<[1], [0], [0], [1], [0, 0, 1, 1], [], []>, transpose_lhs_hint = false} : vector<32x256xf32>, vector<256x3xf32>, vector<32x3xf32> -> vector<32x3xf32>
      %get3A_1192 = arith.constant 0 : index
      %get3A_1193 = vector.load %arg17[%get3A_1192] : memref<3xf32, #tpu.memory_space<vmem>>, vector<3xf32>
      %broadcast_in_dim3A_1194 = vector.shape_cast %get3A_1193 : vector<3xf32> to vector<1x3xf32>
      %add3A_1195 = vector.broadcast %broadcast_in_dim3A_1194 : vector<1x3xf32> to vector<32x3xf32>
      %add3A_1196 = arith.addf %dot_general3A_1191, %add3A_1195 : vector<32x3xf32>
      %slice3A_1197 = vector.extract_strided_slice %div3A_130 {offsets = [0, 12], sizes = [32, 1], strides = [1, 1]} : vector<32x16xf32> to vector<32x1xf32>
      %mul3A_1198 = vector.broadcast %slice3A_1197 : vector<32x1xf32> to vector<32x3xf32>
      %mul3A_1199 = arith.mulf %mul3A_1198, %add3A_1196 : vector<32x3xf32>
      %add3A_1200 = arith.addf %add3A_1118, %mul3A_1199 : vector<32x3xf32>
      %get3A_1201 = arith.constant 13 : index
      %get3A_1202 = arith.constant 0 : index
      %get3A_1203 = arith.constant 0 : index
      %get3A_1204 = vector.load %arg10[%get3A_1201, %get3A_1202, %get3A_1203] : memref<16x1024x256xf32, #tpu.memory_space<vmem>>, vector<1x1024x256xf32>
      %get3A_1205 = vector.shape_cast %get3A_1204 : vector<1x1024x256xf32> to vector<1024x256xf32>
      %dot_general3A_1206 = arith.constant dense<0.000000e+00> : vector<32x256xf32>
      %dot_general3A_1207 = tpu.matmul %mul3A_136, %get3A_1205, %dot_general3A_1206 {dimension_numbers = #tpu.dot_dimension_numbers<[1], [0], [0], [1], [0, 0, 1, 1], [], []>, transpose_lhs_hint = false} : vector<32x1024xf32>, vector<1024x256xf32>, vector<32x256xf32> -> vector<32x256xf32>
      %get3A_1208 = arith.constant 13 : index
      %get3A_1209 = arith.constant 0 : index
      %get3A_1210 = vector.load %arg11[%get3A_1208, %get3A_1209] : memref<16x256xf32, #tpu.memory_space<vmem>>, vector<1x256xf32>
      %add3A_1211 = vector.broadcast %get3A_1210 : vector<1x256xf32> to vector<32x256xf32>
      %add3A_1212 = arith.addf %dot_general3A_1207, %add3A_1211 : vector<32x256xf32>
      %reduce_sum3A_1213 = arith.constant dense<0.000000e+00> : vector<32xf32>
      %reduce_sum3A_1214 = vector.multi_reduction <add>, %add3A_1212, %reduce_sum3A_1213 [1] : vector<32x256xf32> to vector<32xf32>
      %broadcast_in_dim3A_1215 = vector.shape_cast %reduce_sum3A_1214 : vector<32xf32> to vector<32x1xf32>
      %div3A_1216 = arith.constant 2.560000e+02 : f32
      %div3A_1217 = vector.broadcast %div3A_1216 : f32 to vector<32x1xf32>
      %div3A_1218 = arith.divf %broadcast_in_dim3A_1215, %div3A_1217 : vector<32x1xf32>
      %sub3A_1219 = vector.broadcast %div3A_1218 : vector<32x1xf32> to vector<32x256xf32>
      %sub3A_1220 = arith.subf %add3A_1212, %sub3A_1219 : vector<32x256xf32>
      %integer_pow3A_1221 = arith.mulf %sub3A_1220, %sub3A_1220 : vector<32x256xf32>
      %reduce_sum3A_1222 = arith.constant dense<0.000000e+00> : vector<32xf32>
      %reduce_sum3A_1223 = vector.multi_reduction <add>, %integer_pow3A_1221, %reduce_sum3A_1222 [1] : vector<32x256xf32> to vector<32xf32>
      %broadcast_in_dim3A_1224 = vector.shape_cast %reduce_sum3A_1223 : vector<32xf32> to vector<32x1xf32>
      %div3A_1225 = arith.constant 2.560000e+02 : f32
      %div3A_1226 = vector.broadcast %div3A_1225 : f32 to vector<32x1xf32>
      %div3A_1227 = arith.divf %broadcast_in_dim3A_1224, %div3A_1226 : vector<32x1xf32>
      %sub3A_1228 = vector.broadcast %div3A_1218 : vector<32x1xf32> to vector<32x256xf32>
      %sub3A_1229 = arith.subf %add3A_1212, %sub3A_1228 : vector<32x256xf32>
      %add3A_1230 = arith.constant 9.99999974E-6 : f32
      %add3A_1231 = vector.broadcast %add3A_1230 : f32 to vector<32x1xf32>
      %add3A_1232 = arith.addf %div3A_1227, %add3A_1231 : vector<32x1xf32>
      %sqrt3A_1233 = math.sqrt %add3A_1232 : vector<32x1xf32>
      %div3A_1234 = vector.broadcast %sqrt3A_1233 : vector<32x1xf32> to vector<32x256xf32>
      %div3A_1235 = arith.divf %sub3A_1229, %div3A_1234 : vector<32x256xf32>
      %get3A_1236 = arith.constant 13 : index
      %get3A_1237 = arith.constant 0 : index
      %get3A_1238 = vector.load %arg12[%get3A_1236, %get3A_1237] : memref<16x256xf32, #tpu.memory_space<vmem>>, vector<1x256xf32>
      %mul3A_1239 = vector.broadcast %get3A_1238 : vector<1x256xf32> to vector<32x256xf32>
      %mul3A_1240 = arith.mulf %div3A_1235, %mul3A_1239 : vector<32x256xf32>
      %get3A_1241 = arith.constant 13 : index
      %get3A_1242 = arith.constant 0 : index
      %get3A_1243 = vector.load %arg13[%get3A_1241, %get3A_1242] : memref<16x256xf32, #tpu.memory_space<vmem>>, vector<1x256xf32>
      %add3A_1244 = vector.broadcast %get3A_1243 : vector<1x256xf32> to vector<32x256xf32>
      %add3A_1245 = arith.addf %mul3A_1240, %add3A_1244 : vector<32x256xf32>
      %mul3A_1246 = arith.constant 5.000000e-01 : f32
      %mul3A_1247 = vector.broadcast %mul3A_1246 : f32 to vector<32x256xf32>
      %mul3A_1248 = arith.mulf %mul3A_1247, %add3A_1245 : vector<32x256xf32>
      %mul3A_1249 = arith.constant 0.707106769 : f32
      %mul3A_1250 = vector.broadcast %mul3A_1249 : f32 to vector<32x256xf32>
      %mul3A_1251 = arith.mulf %add3A_1245, %mul3A_1250 : vector<32x256xf32>
      %erf3A_1252 = math.erf %mul3A_1251 : vector<32x256xf32>
      %add3A_1253 = arith.constant 1.000000e+00 : f32
      %add3A_1254 = vector.broadcast %add3A_1253 : f32 to vector<32x256xf32>
      %add3A_1255 = arith.addf %add3A_1254, %erf3A_1252 : vector<32x256xf32>
      %mul3A_1256 = arith.mulf %mul3A_1248, %add3A_1255 : vector<32x256xf32>
      %get3A_1257 = arith.constant 13 : index
      %get3A_1258 = arith.constant 0 : index
      %get3A_1259 = arith.constant 0 : index
      %get3A_1260 = vector.load %arg14[%get3A_1257, %get3A_1258, %get3A_1259] : memref<16x256x256xf32, #tpu.memory_space<vmem>>, vector<1x256x256xf32>
      %get3A_1261 = vector.shape_cast %get3A_1260 : vector<1x256x256xf32> to vector<256x256xf32>
      %dot_general3A_1262 = arith.constant dense<0.000000e+00> : vector<32x256xf32>
      %dot_general3A_1263 = tpu.matmul %mul3A_1256, %get3A_1261, %dot_general3A_1262 {dimension_numbers = #tpu.dot_dimension_numbers<[1], [0], [0], [1], [0, 0, 1, 1], [], []>, transpose_lhs_hint = false} : vector<32x256xf32>, vector<256x256xf32>, vector<32x256xf32> -> vector<32x256xf32>
      %get3A_1264 = arith.constant 13 : index
      %get3A_1265 = arith.constant 0 : index
      %get3A_1266 = vector.load %arg15[%get3A_1264, %get3A_1265] : memref<16x256xf32, #tpu.memory_space<vmem>>, vector<1x256xf32>
      %add3A_1267 = vector.broadcast %get3A_1266 : vector<1x256xf32> to vector<32x256xf32>
      %add3A_1268 = arith.addf %dot_general3A_1263, %add3A_1267 : vector<32x256xf32>
      %get3A_1269 = arith.constant 0 : index
      %get3A_1270 = arith.constant 0 : index
      %get3A_1271 = vector.load %arg16[%get3A_1269, %get3A_1270] : memref<256x3xf32, #tpu.memory_space<vmem>>, vector<256x3xf32>
      %dot_general3A_1272 = arith.constant dense<0.000000e+00> : vector<32x3xf32>
      %dot_general3A_1273 = tpu.matmul %add3A_1268, %get3A_1271, %dot_general3A_1272 {dimension_numbers = #tpu.dot_dimension_numbers<[1], [0], [0], [1], [0, 0, 1, 1], [], []>, transpose_lhs_hint = false} : vector<32x256xf32>, vector<256x3xf32>, vector<32x3xf32> -> vector<32x3xf32>
      %get3A_1274 = arith.constant 0 : index
      %get3A_1275 = vector.load %arg17[%get3A_1274] : memref<3xf32, #tpu.memory_space<vmem>>, vector<3xf32>
      %broadcast_in_dim3A_1276 = vector.shape_cast %get3A_1275 : vector<3xf32> to vector<1x3xf32>
      %add3A_1277 = vector.broadcast %broadcast_in_dim3A_1276 : vector<1x3xf32> to vector<32x3xf32>
      %add3A_1278 = arith.addf %dot_general3A_1273, %add3A_1277 : vector<32x3xf32>
      %slice3A_1279 = vector.extract_strided_slice %div3A_130 {offsets = [0, 13], sizes = [32, 1], strides = [1, 1]} : vector<32x16xf32> to vector<32x1xf32>
      %mul3A_1280 = vector.broadcast %slice3A_1279 : vector<32x1xf32> to vector<32x3xf32>
      %mul3A_1281 = arith.mulf %mul3A_1280, %add3A_1278 : vector<32x3xf32>
      %add3A_1282 = arith.addf %add3A_1200, %mul3A_1281 : vector<32x3xf32>
      %get3A_1283 = arith.constant 14 : index
      %get3A_1284 = arith.constant 0 : index
      %get3A_1285 = arith.constant 0 : index
      %get3A_1286 = vector.load %arg10[%get3A_1283, %get3A_1284, %get3A_1285] : memref<16x1024x256xf32, #tpu.memory_space<vmem>>, vector<1x1024x256xf32>
      %get3A_1287 = vector.shape_cast %get3A_1286 : vector<1x1024x256xf32> to vector<1024x256xf32>
      %dot_general3A_1288 = arith.constant dense<0.000000e+00> : vector<32x256xf32>
      %dot_general3A_1289 = tpu.matmul %mul3A_136, %get3A_1287, %dot_general3A_1288 {dimension_numbers = #tpu.dot_dimension_numbers<[1], [0], [0], [1], [0, 0, 1, 1], [], []>, transpose_lhs_hint = false} : vector<32x1024xf32>, vector<1024x256xf32>, vector<32x256xf32> -> vector<32x256xf32>
      %get3A_1290 = arith.constant 14 : index
      %get3A_1291 = arith.constant 0 : index
      %get3A_1292 = vector.load %arg11[%get3A_1290, %get3A_1291] : memref<16x256xf32, #tpu.memory_space<vmem>>, vector<1x256xf32>
      %add3A_1293 = vector.broadcast %get3A_1292 : vector<1x256xf32> to vector<32x256xf32>
      %add3A_1294 = arith.addf %dot_general3A_1289, %add3A_1293 : vector<32x256xf32>
      %reduce_sum3A_1295 = arith.constant dense<0.000000e+00> : vector<32xf32>
      %reduce_sum3A_1296 = vector.multi_reduction <add>, %add3A_1294, %reduce_sum3A_1295 [1] : vector<32x256xf32> to vector<32xf32>
      %broadcast_in_dim3A_1297 = vector.shape_cast %reduce_sum3A_1296 : vector<32xf32> to vector<32x1xf32>
      %div3A_1298 = arith.constant 2.560000e+02 : f32
      %div3A_1299 = vector.broadcast %div3A_1298 : f32 to vector<32x1xf32>
      %div3A_1300 = arith.divf %broadcast_in_dim3A_1297, %div3A_1299 : vector<32x1xf32>
      %sub3A_1301 = vector.broadcast %div3A_1300 : vector<32x1xf32> to vector<32x256xf32>
      %sub3A_1302 = arith.subf %add3A_1294, %sub3A_1301 : vector<32x256xf32>
      %integer_pow3A_1303 = arith.mulf %sub3A_1302, %sub3A_1302 : vector<32x256xf32>
      %reduce_sum3A_1304 = arith.constant dense<0.000000e+00> : vector<32xf32>
      %reduce_sum3A_1305 = vector.multi_reduction <add>, %integer_pow3A_1303, %reduce_sum3A_1304 [1] : vector<32x256xf32> to vector<32xf32>
      %broadcast_in_dim3A_1306 = vector.shape_cast %reduce_sum3A_1305 : vector<32xf32> to vector<32x1xf32>
      %div3A_1307 = arith.constant 2.560000e+02 : f32
      %div3A_1308 = vector.broadcast %div3A_1307 : f32 to vector<32x1xf32>
      %div3A_1309 = arith.divf %broadcast_in_dim3A_1306, %div3A_1308 : vector<32x1xf32>
      %sub3A_1310 = vector.broadcast %div3A_1300 : vector<32x1xf32> to vector<32x256xf32>
      %sub3A_1311 = arith.subf %add3A_1294, %sub3A_1310 : vector<32x256xf32>
      %add3A_1312 = arith.constant 9.99999974E-6 : f32
      %add3A_1313 = vector.broadcast %add3A_1312 : f32 to vector<32x1xf32>
      %add3A_1314 = arith.addf %div3A_1309, %add3A_1313 : vector<32x1xf32>
      %sqrt3A_1315 = math.sqrt %add3A_1314 : vector<32x1xf32>
      %div3A_1316 = vector.broadcast %sqrt3A_1315 : vector<32x1xf32> to vector<32x256xf32>
      %div3A_1317 = arith.divf %sub3A_1311, %div3A_1316 : vector<32x256xf32>
      %get3A_1318 = arith.constant 14 : index
      %get3A_1319 = arith.constant 0 : index
      %get3A_1320 = vector.load %arg12[%get3A_1318, %get3A_1319] : memref<16x256xf32, #tpu.memory_space<vmem>>, vector<1x256xf32>
      %mul3A_1321 = vector.broadcast %get3A_1320 : vector<1x256xf32> to vector<32x256xf32>
      %mul3A_1322 = arith.mulf %div3A_1317, %mul3A_1321 : vector<32x256xf32>
      %get3A_1323 = arith.constant 14 : index
      %get3A_1324 = arith.constant 0 : index
      %get3A_1325 = vector.load %arg13[%get3A_1323, %get3A_1324] : memref<16x256xf32, #tpu.memory_space<vmem>>, vector<1x256xf32>
      %add3A_1326 = vector.broadcast %get3A_1325 : vector<1x256xf32> to vector<32x256xf32>
      %add3A_1327 = arith.addf %mul3A_1322, %add3A_1326 : vector<32x256xf32>
      %mul3A_1328 = arith.constant 5.000000e-01 : f32
      %mul3A_1329 = vector.broadcast %mul3A_1328 : f32 to vector<32x256xf32>
      %mul3A_1330 = arith.mulf %mul3A_1329, %add3A_1327 : vector<32x256xf32>
      %mul3A_1331 = arith.constant 0.707106769 : f32
      %mul3A_1332 = vector.broadcast %mul3A_1331 : f32 to vector<32x256xf32>
      %mul3A_1333 = arith.mulf %add3A_1327, %mul3A_1332 : vector<32x256xf32>
      %erf3A_1334 = math.erf %mul3A_1333 : vector<32x256xf32>
      %add3A_1335 = arith.constant 1.000000e+00 : f32
      %add3A_1336 = vector.broadcast %add3A_1335 : f32 to vector<32x256xf32>
      %add3A_1337 = arith.addf %add3A_1336, %erf3A_1334 : vector<32x256xf32>
      %mul3A_1338 = arith.mulf %mul3A_1330, %add3A_1337 : vector<32x256xf32>
      %get3A_1339 = arith.constant 14 : index
      %get3A_1340 = arith.constant 0 : index
      %get3A_1341 = arith.constant 0 : index
      %get3A_1342 = vector.load %arg14[%get3A_1339, %get3A_1340, %get3A_1341] : memref<16x256x256xf32, #tpu.memory_space<vmem>>, vector<1x256x256xf32>
      %get3A_1343 = vector.shape_cast %get3A_1342 : vector<1x256x256xf32> to vector<256x256xf32>
      %dot_general3A_1344 = arith.constant dense<0.000000e+00> : vector<32x256xf32>
      %dot_general3A_1345 = tpu.matmul %mul3A_1338, %get3A_1343, %dot_general3A_1344 {dimension_numbers = #tpu.dot_dimension_numbers<[1], [0], [0], [1], [0, 0, 1, 1], [], []>, transpose_lhs_hint = false} : vector<32x256xf32>, vector<256x256xf32>, vector<32x256xf32> -> vector<32x256xf32>
      %get3A_1346 = arith.constant 14 : index
      %get3A_1347 = arith.constant 0 : index
      %get3A_1348 = vector.load %arg15[%get3A_1346, %get3A_1347] : memref<16x256xf32, #tpu.memory_space<vmem>>, vector<1x256xf32>
      %add3A_1349 = vector.broadcast %get3A_1348 : vector<1x256xf32> to vector<32x256xf32>
      %add3A_1350 = arith.addf %dot_general3A_1345, %add3A_1349 : vector<32x256xf32>
      %get3A_1351 = arith.constant 0 : index
      %get3A_1352 = arith.constant 0 : index
      %get3A_1353 = vector.load %arg16[%get3A_1351, %get3A_1352] : memref<256x3xf32, #tpu.memory_space<vmem>>, vector<256x3xf32>
      %dot_general3A_1354 = arith.constant dense<0.000000e+00> : vector<32x3xf32>
      %dot_general3A_1355 = tpu.matmul %add3A_1350, %get3A_1353, %dot_general3A_1354 {dimension_numbers = #tpu.dot_dimension_numbers<[1], [0], [0], [1], [0, 0, 1, 1], [], []>, transpose_lhs_hint = false} : vector<32x256xf32>, vector<256x3xf32>, vector<32x3xf32> -> vector<32x3xf32>
      %get3A_1356 = arith.constant 0 : index
      %get3A_1357 = vector.load %arg17[%get3A_1356] : memref<3xf32, #tpu.memory_space<vmem>>, vector<3xf32>
      %broadcast_in_dim3A_1358 = vector.shape_cast %get3A_1357 : vector<3xf32> to vector<1x3xf32>
      %add3A_1359 = vector.broadcast %broadcast_in_dim3A_1358 : vector<1x3xf32> to vector<32x3xf32>
      %add3A_1360 = arith.addf %dot_general3A_1355, %add3A_1359 : vector<32x3xf32>
      %slice3A_1361 = vector.extract_strided_slice %div3A_130 {offsets = [0, 14], sizes = [32, 1], strides = [1, 1]} : vector<32x16xf32> to vector<32x1xf32>
      %mul3A_1362 = vector.broadcast %slice3A_1361 : vector<32x1xf32> to vector<32x3xf32>
      %mul3A_1363 = arith.mulf %mul3A_1362, %add3A_1360 : vector<32x3xf32>
      %add3A_1364 = arith.addf %add3A_1282, %mul3A_1363 : vector<32x3xf32>
      %get3A_1365 = arith.constant 15 : index
      %get3A_1366 = arith.constant 0 : index
      %get3A_1367 = arith.constant 0 : index
      %get3A_1368 = vector.load %arg10[%get3A_1365, %get3A_1366, %get3A_1367] : memref<16x1024x256xf32, #tpu.memory_space<vmem>>, vector<1x1024x256xf32>
      %get3A_1369 = vector.shape_cast %get3A_1368 : vector<1x1024x256xf32> to vector<1024x256xf32>
      %dot_general3A_1370 = arith.constant dense<0.000000e+00> : vector<32x256xf32>
      %dot_general3A_1371 = tpu.matmul %mul3A_136, %get3A_1369, %dot_general3A_1370 {dimension_numbers = #tpu.dot_dimension_numbers<[1], [0], [0], [1], [0, 0, 1, 1], [], []>, transpose_lhs_hint = false} : vector<32x1024xf32>, vector<1024x256xf32>, vector<32x256xf32> -> vector<32x256xf32>
      %get3A_1372 = arith.constant 15 : index
      %get3A_1373 = arith.constant 0 : index
      %get3A_1374 = vector.load %arg11[%get3A_1372, %get3A_1373] : memref<16x256xf32, #tpu.memory_space<vmem>>, vector<1x256xf32>
      %add3A_1375 = vector.broadcast %get3A_1374 : vector<1x256xf32> to vector<32x256xf32>
      %add3A_1376 = arith.addf %dot_general3A_1371, %add3A_1375 : vector<32x256xf32>
      %reduce_sum3A_1377 = arith.constant dense<0.000000e+00> : vector<32xf32>
      %reduce_sum3A_1378 = vector.multi_reduction <add>, %add3A_1376, %reduce_sum3A_1377 [1] : vector<32x256xf32> to vector<32xf32>
      %broadcast_in_dim3A_1379 = vector.shape_cast %reduce_sum3A_1378 : vector<32xf32> to vector<32x1xf32>
      %div3A_1380 = arith.constant 2.560000e+02 : f32
      %div3A_1381 = vector.broadcast %div3A_1380 : f32 to vector<32x1xf32>
      %div3A_1382 = arith.divf %broadcast_in_dim3A_1379, %div3A_1381 : vector<32x1xf32>
      %sub3A_1383 = vector.broadcast %div3A_1382 : vector<32x1xf32> to vector<32x256xf32>
      %sub3A_1384 = arith.subf %add3A_1376, %sub3A_1383 : vector<32x256xf32>
      %integer_pow3A_1385 = arith.mulf %sub3A_1384, %sub3A_1384 : vector<32x256xf32>
      %reduce_sum3A_1386 = arith.constant dense<0.000000e+00> : vector<32xf32>
      %reduce_sum3A_1387 = vector.multi_reduction <add>, %integer_pow3A_1385, %reduce_sum3A_1386 [1] : vector<32x256xf32> to vector<32xf32>
      %broadcast_in_dim3A_1388 = vector.shape_cast %reduce_sum3A_1387 : vector<32xf32> to vector<32x1xf32>
      %div3A_1389 = arith.constant 2.560000e+02 : f32
      %div3A_1390 = vector.broadcast %div3A_1389 : f32 to vector<32x1xf32>
      %div3A_1391 = arith.divf %broadcast_in_dim3A_1388, %div3A_1390 : vector<32x1xf32>
      %sub3A_1392 = vector.broadcast %div3A_1382 : vector<32x1xf32> to vector<32x256xf32>
      %sub3A_1393 = arith.subf %add3A_1376, %sub3A_1392 : vector<32x256xf32>
      %add3A_1394 = arith.constant 9.99999974E-6 : f32
      %add3A_1395 = vector.broadcast %add3A_1394 : f32 to vector<32x1xf32>
      %add3A_1396 = arith.addf %div3A_1391, %add3A_1395 : vector<32x1xf32>
      %sqrt3A_1397 = math.sqrt %add3A_1396 : vector<32x1xf32>
      %div3A_1398 = vector.broadcast %sqrt3A_1397 : vector<32x1xf32> to vector<32x256xf32>
      %div3A_1399 = arith.divf %sub3A_1393, %div3A_1398 : vector<32x256xf32>
      %get3A_1400 = arith.constant 15 : index
      %get3A_1401 = arith.constant 0 : index
      %get3A_1402 = vector.load %arg12[%get3A_1400, %get3A_1401] : memref<16x256xf32, #tpu.memory_space<vmem>>, vector<1x256xf32>
      %mul3A_1403 = vector.broadcast %get3A_1402 : vector<1x256xf32> to vector<32x256xf32>
      %mul3A_1404 = arith.mulf %div3A_1399, %mul3A_1403 : vector<32x256xf32>
      %get3A_1405 = arith.constant 15 : index
      %get3A_1406 = arith.constant 0 : index
      %get3A_1407 = vector.load %arg13[%get3A_1405, %get3A_1406] : memref<16x256xf32, #tpu.memory_space<vmem>>, vector<1x256xf32>
      %add3A_1408 = vector.broadcast %get3A_1407 : vector<1x256xf32> to vector<32x256xf32>
      %add3A_1409 = arith.addf %mul3A_1404, %add3A_1408 : vector<32x256xf32>
      %mul3A_1410 = arith.constant 5.000000e-01 : f32
      %mul3A_1411 = vector.broadcast %mul3A_1410 : f32 to vector<32x256xf32>
      %mul3A_1412 = arith.mulf %mul3A_1411, %add3A_1409 : vector<32x256xf32>
      %mul3A_1413 = arith.constant 0.707106769 : f32
      %mul3A_1414 = vector.broadcast %mul3A_1413 : f32 to vector<32x256xf32>
      %mul3A_1415 = arith.mulf %add3A_1409, %mul3A_1414 : vector<32x256xf32>
      %erf3A_1416 = math.erf %mul3A_1415 : vector<32x256xf32>
      %add3A_1417 = arith.constant 1.000000e+00 : f32
      %add3A_1418 = vector.broadcast %add3A_1417 : f32 to vector<32x256xf32>
      %add3A_1419 = arith.addf %add3A_1418, %erf3A_1416 : vector<32x256xf32>
      %mul3A_1420 = arith.mulf %mul3A_1412, %add3A_1419 : vector<32x256xf32>
      %get3A_1421 = arith.constant 15 : index
      %get3A_1422 = arith.constant 0 : index
      %get3A_1423 = arith.constant 0 : index
      %get3A_1424 = vector.load %arg14[%get3A_1421, %get3A_1422, %get3A_1423] : memref<16x256x256xf32, #tpu.memory_space<vmem>>, vector<1x256x256xf32>
      %get3A_1425 = vector.shape_cast %get3A_1424 : vector<1x256x256xf32> to vector<256x256xf32>
      %dot_general3A_1426 = arith.constant dense<0.000000e+00> : vector<32x256xf32>
      %dot_general3A_1427 = tpu.matmul %mul3A_1420, %get3A_1425, %dot_general3A_1426 {dimension_numbers = #tpu.dot_dimension_numbers<[1], [0], [0], [1], [0, 0, 1, 1], [], []>, transpose_lhs_hint = false} : vector<32x256xf32>, vector<256x256xf32>, vector<32x256xf32> -> vector<32x256xf32>
      %get3A_1428 = arith.constant 15 : index
      %get3A_1429 = arith.constant 0 : index
      %get3A_1430 = vector.load %arg15[%get3A_1428, %get3A_1429] : memref<16x256xf32, #tpu.memory_space<vmem>>, vector<1x256xf32>
      %add3A_1431 = vector.broadcast %get3A_1430 : vector<1x256xf32> to vector<32x256xf32>
      %add3A_1432 = arith.addf %dot_general3A_1427, %add3A_1431 : vector<32x256xf32>
      %get3A_1433 = arith.constant 0 : index
      %get3A_1434 = arith.constant 0 : index
      %get3A_1435 = vector.load %arg16[%get3A_1433, %get3A_1434] : memref<256x3xf32, #tpu.memory_space<vmem>>, vector<256x3xf32>
      %dot_general3A_1436 = arith.constant dense<0.000000e+00> : vector<32x3xf32>
      %dot_general3A_1437 = tpu.matmul %add3A_1432, %get3A_1435, %dot_general3A_1436 {dimension_numbers = #tpu.dot_dimension_numbers<[1], [0], [0], [1], [0, 0, 1, 1], [], []>, transpose_lhs_hint = false} : vector<32x256xf32>, vector<256x3xf32>, vector<32x3xf32> -> vector<32x3xf32>
      %get3A_1438 = arith.constant 0 : index
      %get3A_1439 = vector.load %arg17[%get3A_1438] : memref<3xf32, #tpu.memory_space<vmem>>, vector<3xf32>
      %broadcast_in_dim3A_1440 = vector.shape_cast %get3A_1439 : vector<3xf32> to vector<1x3xf32>
      %add3A_1441 = vector.broadcast %broadcast_in_dim3A_1440 : vector<1x3xf32> to vector<32x3xf32>
      %add3A_1442 = arith.addf %dot_general3A_1437, %add3A_1441 : vector<32x3xf32>
      %slice3A_1443 = vector.extract_strided_slice %div3A_130 {offsets = [0, 15], sizes = [32, 1], strides = [1, 1]} : vector<32x16xf32> to vector<32x1xf32>
      %mul3A_1444 = vector.broadcast %slice3A_1443 : vector<32x1xf32> to vector<32x3xf32>
      %mul3A_1445 = arith.mulf %mul3A_1444, %add3A_1442 : vector<32x3xf32>
      %add3A_1446 = arith.addf %add3A_1364, %mul3A_1445 : vector<32x3xf32>
      %get3A_1447 = arith.constant 0 : index
      %get3A_1448 = arith.constant 0 : index
      %get3A_1449 = vector.load %arg18[%get3A_1447, %get3A_1448] : memref<6x3xf32, #tpu.memory_space<vmem>>, vector<3x3xf32>
      %convert_element_type3A_1450 = arith.truncf %add3A_45 : vector<32x3xf32> to vector<32x3xbf16>
      %convert_element_type3A_1451 = arith.extf %convert_element_type3A_1450 : vector<32x3xbf16> to vector<32x3xf32>
      %convert_element_type3A_1452 = arith.truncf %get3A_1449 : vector<3x3xf32> to vector<3x3xbf16>
      %convert_element_type3A_1453 = arith.extf %convert_element_type3A_1452 : vector<3x3xbf16> to vector<3x3xf32>
      %slice3A_1454 = vector.extract_strided_slice %convert_element_type3A_1451 {offsets = [0, 0], sizes = [32, 1], strides = [1, 1]} : vector<32x3xf32> to vector<32x1xf32>
      %slice3A_1455 = vector.extract_strided_slice %convert_element_type3A_1453 {offsets = [0, 0], sizes = [1, 3], strides = [1, 1]} : vector<3x3xf32> to vector<1x3xf32>
      %mul3A_1456 = vector.broadcast %slice3A_1454 : vector<32x1xf32> to vector<32x3xf32>
      %mul3A_1457 = vector.broadcast %slice3A_1455 : vector<1x3xf32> to vector<32x3xf32>
      %mul3A_1458 = arith.mulf %mul3A_1456, %mul3A_1457 : vector<32x3xf32>
      %slice3A_1459 = vector.extract_strided_slice %convert_element_type3A_1451 {offsets = [0, 1], sizes = [32, 1], strides = [1, 1]} : vector<32x3xf32> to vector<32x1xf32>
      %slice3A_1460 = vector.extract_strided_slice %convert_element_type3A_1453 {offsets = [1, 0], sizes = [1, 3], strides = [1, 1]} : vector<3x3xf32> to vector<1x3xf32>
      %mul3A_1461 = vector.broadcast %slice3A_1459 : vector<32x1xf32> to vector<32x3xf32>
      %mul3A_1462 = vector.broadcast %slice3A_1460 : vector<1x3xf32> to vector<32x3xf32>
      %mul3A_1463 = arith.mulf %mul3A_1461, %mul3A_1462 : vector<32x3xf32>
      %add3A_1464 = arith.addf %mul3A_1458, %mul3A_1463 : vector<32x3xf32>
      %slice3A_1465 = vector.extract_strided_slice %convert_element_type3A_1451 {offsets = [0, 2], sizes = [32, 1], strides = [1, 1]} : vector<32x3xf32> to vector<32x1xf32>
      %slice3A_1466 = vector.extract_strided_slice %convert_element_type3A_1453 {offsets = [2, 0], sizes = [1, 3], strides = [1, 1]} : vector<3x3xf32> to vector<1x3xf32>
      %mul3A_1467 = vector.broadcast %slice3A_1465 : vector<32x1xf32> to vector<32x3xf32>
      %mul3A_1468 = vector.broadcast %slice3A_1466 : vector<1x3xf32> to vector<32x3xf32>
      %mul3A_1469 = arith.mulf %mul3A_1467, %mul3A_1468 : vector<32x3xf32>
      %add3A_1470 = arith.addf %add3A_1464, %mul3A_1469 : vector<32x3xf32>
      %get3A_1471 = arith.constant 3 : index
      %get3A_1472 = arith.constant 0 : index
      %get3A_1473 = vector.load %arg18[%get3A_1471, %get3A_1472] : memref<6x3xf32, #tpu.memory_space<vmem>>, vector<3x3xf32>
      %convert_element_type3A_1474 = arith.truncf %add3A_1446 : vector<32x3xf32> to vector<32x3xbf16>
      %convert_element_type3A_1475 = arith.extf %convert_element_type3A_1474 : vector<32x3xbf16> to vector<32x3xf32>
      %convert_element_type3A_1476 = arith.truncf %get3A_1473 : vector<3x3xf32> to vector<3x3xbf16>
      %convert_element_type3A_1477 = arith.extf %convert_element_type3A_1476 : vector<3x3xbf16> to vector<3x3xf32>
      %slice3A_1478 = vector.extract_strided_slice %convert_element_type3A_1475 {offsets = [0, 0], sizes = [32, 1], strides = [1, 1]} : vector<32x3xf32> to vector<32x1xf32>
      %slice3A_1479 = vector.extract_strided_slice %convert_element_type3A_1477 {offsets = [0, 0], sizes = [1, 3], strides = [1, 1]} : vector<3x3xf32> to vector<1x3xf32>
      %mul3A_1480 = vector.broadcast %slice3A_1478 : vector<32x1xf32> to vector<32x3xf32>
      %mul3A_1481 = vector.broadcast %slice3A_1479 : vector<1x3xf32> to vector<32x3xf32>
      %mul3A_1482 = arith.mulf %mul3A_1480, %mul3A_1481 : vector<32x3xf32>
      %slice3A_1483 = vector.extract_strided_slice %convert_element_type3A_1475 {offsets = [0, 1], sizes = [32, 1], strides = [1, 1]} : vector<32x3xf32> to vector<32x1xf32>
      %slice3A_1484 = vector.extract_strided_slice %convert_element_type3A_1477 {offsets = [1, 0], sizes = [1, 3], strides = [1, 1]} : vector<3x3xf32> to vector<1x3xf32>
      %mul3A_1485 = vector.broadcast %slice3A_1483 : vector<32x1xf32> to vector<32x3xf32>
      %mul3A_1486 = vector.broadcast %slice3A_1484 : vector<1x3xf32> to vector<32x3xf32>
      %mul3A_1487 = arith.mulf %mul3A_1485, %mul3A_1486 : vector<32x3xf32>
      %add3A_1488 = arith.addf %mul3A_1482, %mul3A_1487 : vector<32x3xf32>
      %slice3A_1489 = vector.extract_strided_slice %convert_element_type3A_1475 {offsets = [0, 2], sizes = [32, 1], strides = [1, 1]} : vector<32x3xf32> to vector<32x1xf32>
      %slice3A_1490 = vector.extract_strided_slice %convert_element_type3A_1477 {offsets = [2, 0], sizes = [1, 3], strides = [1, 1]} : vector<3x3xf32> to vector<1x3xf32>
      %mul3A_1491 = vector.broadcast %slice3A_1489 : vector<32x1xf32> to vector<32x3xf32>
      %mul3A_1492 = vector.broadcast %slice3A_1490 : vector<1x3xf32> to vector<32x3xf32>
      %mul3A_1493 = arith.mulf %mul3A_1491, %mul3A_1492 : vector<32x3xf32>
      %add3A_1494 = arith.addf %add3A_1488, %mul3A_1493 : vector<32x3xf32>
      %add3A_1495 = arith.addf %add3A_1470, %add3A_1494 : vector<32x3xf32>
      %get3A_1496 = arith.constant 0 : index
      %get3A_1497 = vector.load %arg19[%get3A_1496] : memref<3xf32, #tpu.memory_space<vmem>>, vector<3xf32>
      %broadcast_in_dim3A_1498 = vector.shape_cast %get3A_1497 : vector<3xf32> to vector<1x3xf32>
      %add3A_1499 = vector.broadcast %broadcast_in_dim3A_1498 : vector<1x3xf32> to vector<32x3xf32>
      %add3A_1500 = arith.addf %add3A_1495, %add3A_1499 : vector<32x3xf32>
      %reduce_sum3A_1501 = arith.constant dense<0.000000e+00> : vector<32xf32>
      %reduce_sum3A_1502 = vector.multi_reduction <add>, %add3A_1500, %reduce_sum3A_1501 [1] : vector<32x3xf32> to vector<32xf32>
      %broadcast_in_dim3A_1503 = vector.shape_cast %reduce_sum3A_1502 : vector<32xf32> to vector<32x1xf32>
      %div3A_1504 = arith.constant 3.000000e+00 : f32
      %div3A_1505 = vector.broadcast %div3A_1504 : f32 to vector<32x1xf32>
      %div3A_1506 = arith.divf %broadcast_in_dim3A_1503, %div3A_1505 : vector<32x1xf32>
      %sub3A_1507 = vector.broadcast %div3A_1506 : vector<32x1xf32> to vector<32x3xf32>
      %sub3A_1508 = arith.subf %add3A_1500, %sub3A_1507 : vector<32x3xf32>
      %integer_pow3A_1509 = arith.mulf %sub3A_1508, %sub3A_1508 : vector<32x3xf32>
      %reduce_sum3A_1510 = arith.constant dense<0.000000e+00> : vector<32xf32>
      %reduce_sum3A_1511 = vector.multi_reduction <add>, %integer_pow3A_1509, %reduce_sum3A_1510 [1] : vector<32x3xf32> to vector<32xf32>
      %broadcast_in_dim3A_1512 = vector.shape_cast %reduce_sum3A_1511 : vector<32xf32> to vector<32x1xf32>
      %div3A_1513 = arith.constant 3.000000e+00 : f32
      %div3A_1514 = vector.broadcast %div3A_1513 : f32 to vector<32x1xf32>
      %div3A_1515 = arith.divf %broadcast_in_dim3A_1512, %div3A_1514 : vector<32x1xf32>
      %sub3A_1516 = vector.broadcast %div3A_1506 : vector<32x1xf32> to vector<32x3xf32>
      %sub3A_1517 = arith.subf %add3A_1500, %sub3A_1516 : vector<32x3xf32>
      %add3A_1518 = arith.constant 9.99999974E-6 : f32
      %add3A_1519 = vector.broadcast %add3A_1518 : f32 to vector<32x1xf32>
      %add3A_1520 = arith.addf %div3A_1515, %add3A_1519 : vector<32x1xf32>
      %sqrt3A_1521 = math.sqrt %add3A_1520 : vector<32x1xf32>
      %div3A_1522 = vector.broadcast %sqrt3A_1521 : vector<32x1xf32> to vector<32x3xf32>
      %div3A_1523 = arith.divf %sub3A_1517, %div3A_1522 : vector<32x3xf32>
      %get3A_1524 = arith.constant 0 : index
      %get3A_1525 = vector.load %arg20[%get3A_1524] : memref<3xf32, #tpu.memory_space<vmem>>, vector<3xf32>
      %broadcast_in_dim3A_1526 = vector.shape_cast %get3A_1525 : vector<3xf32> to vector<1x3xf32>
      %mul3A_1527 = vector.broadcast %broadcast_in_dim3A_1526 : vector<1x3xf32> to vector<32x3xf32>
      %mul3A_1528 = arith.mulf %div3A_1523, %mul3A_1527 : vector<32x3xf32>
      %get3A_1529 = arith.constant 0 : index
      %get3A_1530 = vector.load %arg21[%get3A_1529] : memref<3xf32, #tpu.memory_space<vmem>>, vector<3xf32>
      %broadcast_in_dim3A_1531 = vector.shape_cast %get3A_1530 : vector<3xf32> to vector<1x3xf32>
      %add3A_1532 = vector.broadcast %broadcast_in_dim3A_1531 : vector<1x3xf32> to vector<32x3xf32>
      %add3A_1533 = arith.addf %mul3A_1528, %add3A_1532 : vector<32x3xf32>
      %max3A = arith.constant 0.000000e+00 : f32
      %max3A_1534 = vector.broadcast %max3A : f32 to vector<32x3xf32>
      %max3A_1535 = arith.maximumf %add3A_1533, %max3A_1534 : vector<32x3xf32>
      %get3A_1536 = arith.constant 0 : index
      %get3A_1537 = arith.constant 0 : index
      %get3A_1538 = vector.load %arg22[%get3A_1536, %get3A_1537] : memref<3x3xf32, #tpu.memory_space<vmem>>, vector<3x3xf32>
      %convert_element_type3A_1539 = arith.truncf %max3A_1535 : vector<32x3xf32> to vector<32x3xbf16>
      %convert_element_type3A_1540 = arith.extf %convert_element_type3A_1539 : vector<32x3xbf16> to vector<32x3xf32>
      %convert_element_type3A_1541 = arith.truncf %get3A_1538 : vector<3x3xf32> to vector<3x3xbf16>
      %convert_element_type3A_1542 = arith.extf %convert_element_type3A_1541 : vector<3x3xbf16> to vector<3x3xf32>
      %slice3A_1543 = vector.extract_strided_slice %convert_element_type3A_1540 {offsets = [0, 0], sizes = [32, 1], strides = [1, 1]} : vector<32x3xf32> to vector<32x1xf32>
      %slice3A_1544 = vector.extract_strided_slice %convert_element_type3A_1542 {offsets = [0, 0], sizes = [1, 3], strides = [1, 1]} : vector<3x3xf32> to vector<1x3xf32>
      %mul3A_1545 = vector.broadcast %slice3A_1543 : vector<32x1xf32> to vector<32x3xf32>
      %mul3A_1546 = vector.broadcast %slice3A_1544 : vector<1x3xf32> to vector<32x3xf32>
      %mul3A_1547 = arith.mulf %mul3A_1545, %mul3A_1546 : vector<32x3xf32>
      %slice3A_1548 = vector.extract_strided_slice %convert_element_type3A_1540 {offsets = [0, 1], sizes = [32, 1], strides = [1, 1]} : vector<32x3xf32> to vector<32x1xf32>
      %slice3A_1549 = vector.extract_strided_slice %convert_element_type3A_1542 {offsets = [1, 0], sizes = [1, 3], strides = [1, 1]} : vector<3x3xf32> to vector<1x3xf32>
      %mul3A_1550 = vector.broadcast %slice3A_1548 : vector<32x1xf32> to vector<32x3xf32>
      %mul3A_1551 = vector.broadcast %slice3A_1549 : vector<1x3xf32> to vector<32x3xf32>
      %mul3A_1552 = arith.mulf %mul3A_1550, %mul3A_1551 : vector<32x3xf32>
      %add3A_1553 = arith.addf %mul3A_1547, %mul3A_1552 : vector<32x3xf32>
      %slice3A_1554 = vector.extract_strided_slice %convert_element_type3A_1540 {offsets = [0, 2], sizes = [32, 1], strides = [1, 1]} : vector<32x3xf32> to vector<32x1xf32>
      %slice3A_1555 = vector.extract_strided_slice %convert_element_type3A_1542 {offsets = [2, 0], sizes = [1, 3], strides = [1, 1]} : vector<3x3xf32> to vector<1x3xf32>
      %mul3A_1556 = vector.broadcast %slice3A_1554 : vector<32x1xf32> to vector<32x3xf32>
      %mul3A_1557 = vector.broadcast %slice3A_1555 : vector<1x3xf32> to vector<32x3xf32>
      %mul3A_1558 = arith.mulf %mul3A_1556, %mul3A_1557 : vector<32x3xf32>
      %add3A_1559 = arith.addf %add3A_1553, %mul3A_1558 : vector<32x3xf32>
      %get3A_1560 = arith.constant 0 : index
      %get3A_1561 = vector.load %arg23[%get3A_1560] : memref<3xf32, #tpu.memory_space<vmem>>, vector<3xf32>
      %broadcast_in_dim3A_1562 = vector.shape_cast %get3A_1561 : vector<3xf32> to vector<1x3xf32>
      %add3A_1563 = vector.broadcast %broadcast_in_dim3A_1562 : vector<1x3xf32> to vector<32x3xf32>
      %add3A_1564 = arith.addf %add3A_1559, %add3A_1563 : vector<32x3xf32>
      %swap3A_1565 = arith.constant 0 : index
      %swap3A_1566 = arith.constant 0 : index
      %swap3A_1567 = vector.load %arg24[%swap3A_1565, %swap3A_1566] : memref<32x3xf32, #tpu.memory_space<vmem>>, vector<32x3xf32>
      tpu.vector_store %arg24[%swap3A_1565, %swap3A_1566], %add3A_1564 {strides = array<i32>} : memref<32x3xf32, #tpu.memory_space<vmem>>, vector<32x3xf32>,
    } else {
    }
    return
  }
  func.func @transform_0(%arg0: i32) -> (i32, i32) {
    %c0_i32 = arith.constant 0 : i32
    %c0_i32_0 = arith.constant 0 : i32
    return %c0_i32, %arg0 : i32, i32
  }
  func.func @transform_1(%arg0: i32) -> (i32, i32) {
    %c0_i32 = arith.constant 0 : i32
    %c0_i32_0 = arith.constant 0 : i32
    return %arg0, %c0_i32 : i32, i32
  }
  func.func @transform_2(%arg0: i32) -> (i32, i32) {
    %c0_i32 = arith.constant 0 : i32
    %c0_i32_0 = arith.constant 0 : i32
    %c0_i32_1 = arith.constant 0 : i32
    return %c0_i32, %c0_i32_0 : i32, i32
  }
  func.func @transform_3(%arg0: i32) -> (i32, i32) {
    %c0_i32 = arith.constant 0 : i32
    %c0_i32_0 = arith.constant 0 : i32
    %c0_i32_1 = arith.constant 0 : i32
    return %c0_i32, %c0_i32_0 : i32, i32
  }
  func.func @transform_4(%arg0: i32) -> i32 {
    %c0_i32 = arith.constant 0 : i32
    %c0_i32_0 = arith.constant 0 : i32
    return %c0_i32 : i32
  }
  func.func @transform_5(%arg0: i32) -> (i32, i32) {
    %c0_i32 = arith.constant 0 : i32
    %c0_i32_0 = arith.constant 0 : i32
    %c0_i32_1 = arith.constant 0 : i32
    return %c0_i32, %c0_i32_0 : i32, i32
  }
  func.func @transform_6(%arg0: i32) -> i32 {
    %c0_i32 = arith.constant 0 : i32
    %c0_i32_0 = arith.constant 0 : i32
    return %c0_i32 : i32
  }
  func.func @transform_7(%arg0: i32) -> (i32, i32) {
    %c0_i32 = arith.constant 0 : i32
    %c0_i32_0 = arith.constant 0 : i32
    %c0_i32_1 = arith.constant 0 : i32
    return %c0_i32, %c0_i32_0 : i32, i32
  }
  func.func @transform_8(%arg0: i32) -> i32 {
    %c0_i32 = arith.constant 0 : i32
    %c0_i32_0 = arith.constant 0 : i32
    return %c0_i32 : i32
  }
  func.func @transform_9(%arg0: i32) -> (i32, i32, i32) {
    %c0_i32 = arith.constant 0 : i32
    %c0_i32_0 = arith.constant 0 : i32
    %c0_i32_1 = arith.constant 0 : i32
    %c0_i32_2 = arith.constant 0 : i32
    return %c0_i32, %c0_i32_0, %c0_i32_1 : i32, i32, i32
  }
  func.func @transform_10(%arg0: i32) -> (i32, i32) {
    %c0_i32 = arith.constant 0 : i32
    %c0_i32_0 = arith.constant 0 : i32
    %c0_i32_1 = arith.constant 0 : i32
    return %c0_i32, %c0_i32_0 : i32, i32
  }
  func.func @transform_11(%arg0: i32) -> (i32, i32) {
    %c0_i32 = arith.constant 0 : i32
    %c0_i32_0 = arith.constant 0 : i32
    %c0_i32_1 = arith.constant 0 : i32
    return %c0_i32, %c0_i32_0 : i32, i32
  }
  func.func @transform_12(%arg0: i32) -> (i32, i32) {
    %c0_i32 = arith.constant 0 : i32
    %c0_i32_0 = arith.constant 0 : i32
    %c0_i32_1 = arith.constant 0 : i32
    return %c0_i32, %c0_i32_0 : i32, i32
  }
  func.func @transform_13(%arg0: i32) -> (i32, i32, i32) {
    %c0_i32 = arith.constant 0 : i32
    %c0_i32_0 = arith.constant 0 : i32
    %c0_i32_1 = arith.constant 0 : i32
    %c0_i32_2 = arith.constant 0 : i32
    return %c0_i32, %c0_i32_0, %c0_i32_1 : i32, i32, i32
  }
  func.func @transform_14(%arg0: i32) -> (i32, i32) {
    %c0_i32 = arith.constant 0 : i32
    %c0_i32_0 = arith.constant 0 : i32
    %c0_i32_1 = arith.constant 0 : i32
    return %c0_i32, %c0_i32_0 : i32, i32
  }
  func.func @transform_15(%arg0: i32) -> (i32, i32) {
    %c0_i32 = arith.constant 0 : i32
    %c0_i32_0 = arith.constant 0 : i32
    %c0_i32_1 = arith.constant 0 : i32
    return %c0_i32, %c0_i32_0 : i32, i32
  }
  func.func @transform_16(%arg0: i32) -> i32 {
    %c0_i32 = arith.constant 0 : i32
    %c0_i32_0 = arith.constant 0 : i32
    return %c0_i32 : i32
  }
  func.func @transform_17(%arg0: i32) -> (i32, i32) {
    %c0_i32 = arith.constant 0 : i32
    %c0_i32_0 = arith.constant 0 : i32
    %c0_i32_1 = arith.constant 0 : i32
    return %c0_i32, %c0_i32_0 : i32, i32
  }
  func.func @transform_18(%arg0: i32) -> i32 {
    %c0_i32 = arith.constant 0 : i32
    %c0_i32_0 = arith.constant 0 : i32
    return %c0_i32 : i32
  }
  func.func @transform_19(%arg0: i32) -> i32 {
    %c0_i32 = arith.constant 0 : i32
    %c0_i32_0 = arith.constant 0 : i32
    return %c0_i32 : i32
  }
  func.func @transform_20(%arg0: i32) -> i32 {
    %c0_i32 = arith.constant 0 : i32
    %c0_i32_0 = arith.constant 0 : i32
    return %c0_i32 : i32
  }
  func.func @transform_21(%arg0: i32) -> (i32, i32) {
    %c0_i32 = arith.constant 0 : i32
    %c0_i32_0 = arith.constant 0 : i32
    %c0_i32_1 = arith.constant 0 : i32
    return %c0_i32, %c0_i32_0 : i32, i32
  }
  func.func @transform_22(%arg0: i32) -> i32 {
    %c0_i32 = arith.constant 0 : i32
    %c0_i32_0 = arith.constant 0 : i32
    return %c0_i32 : i32
  }
  func.func @transform_23(%arg0: i32) -> (i32, i32) {
    %c0_i32 = arith.constant 0 : i32
    %c0_i32_0 = arith.constant 0 : i32
    %c0_i32_1 = arith.constant 0 : i32
    return %c0_i32, %c0_i32_0 : i32, i32
  }
}

</mosaic_0001>

<sc_bundles>
// kernel: kernel.4.cloned.1.call-start
scs
__scs_entry_jumppad:
0x0: {  	(pc) =	sbr.rel $0x88, $3  }
0x1: {  	(tag) =	ssettag $0x0;
	lr =	simm.s32 $0x1  }
0x2: {  	[smem:$0x3F8B] =	sst lr;
	_ =	strace $0xD0000000  }
0x3: {  	_ = 	snop  }
0x4: {  	_ = 	snop  }
0x5: {  	_ = 	snop  }
0x6: {  	_ = 	snop  }
0x7: {  	_ = 	snop  }
__scs_overlays_trampoline_lowered:
0x8: {  	[smem:$0x3F9A] =	sst s0  }
0x9: {  	[smem:$0x3F9B] =	sst s1  }
0xa: {  	[smem:$0x3F9C] =	sst s2  }
0xb: {  	[smem:$0x3F9D] =	sst s3  }
0xc: {  	[smem:$0x3F9E] =	sst s4  }
0xd: {  	[smem:$0x3F9F] =	sst s5  }
0xe: {  	[smem:$0x3FA0] =	sst s6  }
0xf: {  	[smem:$0x3FA1] =	sst s7  }
0x10: {  	[smem:$0x3FA2] =	sst s8  }
0x11: {  	[smem:$0x3FA3] =	sst s9;
	s0 =	simm.s32 @!p0 $0x0  }
0x12: {  	s1 =	sld [smem:$0x3F89];
	s0 =	simm.s32 @p0 $0x1  }
0x13: {  	[smem:$0x3FA4] =	sst s0;
	s0 =	simm.s32 @!p1 $0x0  }
0x14: {  	s2 =	sld [smem:$0x3F88];
	s0 =	simm.s32 @p1 $0x1  }
0x15: {  	[smem:$0x3FA5] =	sst s0;
	s0 =	simm.s32 @!p2 $0x0  }
0x16: {  	s3 =	sld [smem:$0x3FDB];
	s0 =	simm.s32 @p2 $0x1  }
0x17: {  	s4 =	simm.s32 $0x1BF5;
	[smem:$0x3FA7] =	sst s0  }
0x18: {  	s0 =	sld [smem:$0x3F8A];
	_ =	swait.ge [sflag:s4], $0x0  }
0x19: {  	s7 =	sld [smem:$0x3F8B]  }
0x1a: {  	s8 =	sadd.s32 $0xFFFFE003, lr  }
0x1b: {  	s9 =	sadd.s32 $0xFFFFFEF7, lr;
	s5 =	simm.s32 $0xFFFFFFFF;
	p2 =	slt.u32 s8, $0xFFFFF086  }
0x1c: {  	p1 =	slt.u32 s9, $0xF7A;
	s5 =	simm.s32 @!p2 $0x0  }
0x1d: {  	s5 =	simm.s32 @p1 $0x1;
	p0 =	seq.s32 s7, s2  }
0x1e: {  	s7 =	smul.u32 @!p0 $0xF7A, s2;
	p2 =	seq.s32 @!p0 s5, $0x0  }
0x1f: {  	s9 =	smul.u32 $0xF7A, s1;
	s8 =	simm.s32 @!p0 $0x1BF5;
	p2 =	por !p2, p0  }
0x20: {  	[sflag:s8] =	ssyncset.s32 @!p0 $0xFFFFF086;
	s6 =	sadd.s32 @!p0 s3, s7;
	s7 =	simm.s32 @!p0 $0x108  }
0x21: {  	s3 =	sadd.s32 s3, s9;
	s6 =	sadd.s32 @!p0 $0x88, s6;
	s7 =	simm.s32 @p2 $0x1082  }
0x22: {  	[simem:s7], [sflag:s8] =	dma.local @!p0 [hbm:s6], $0xF7A  }
0x23: {  	s9 =	sor.u32 $0xD0000000, s2;
	s6 =	simm.s32 $0x108;
	_ =	swait.ge @!p0 [sflag:s8], $0x0  }
0x24: {  	s3 =	sadd.s32 $0x88, s3;
	s6 =	simm.s32 @!p1 $0x1082;
	[sflag:s4] =	ssyncset.s32 $0xFFFFF086  }
0x25: {  	[simem:s6], [sflag:s4] =	dma.local [hbm:s3], $0xF7A  }
0x26: {  	[smem:$0x3F8B] =	sst s1;
	(tag) =	ssettag s2;
	_ =	strace s9  }
0x27: {  	s1 =	sld [smem:$0x3F9B]  }
0x28: {  	s2 =	sld [smem:$0x3F9C]  }
0x29: {  	s4 =	sld [smem:$0x3F9E]  }
0x2a: {  	p0 =	seq.s32 s5, $0x0;
	s5 =	sld [smem:$0x3F9F]  }
0x2b: {  	s6 =	sld [smem:$0x3FA0]  }
0x2c: {  	s7 =	sld [smem:$0x3FA1]  }
0x2d: {  	s3 =	simm.s32 $0x108;
	s8 =	sld [smem:$0x3FA2]  }
0x2e: {  	s3 =	simm.s32 @!p0 $0x1082;
	s9 =	sld [smem:$0x3FA3]  }
0x2f: {  	lr =	sadd.s32 s0, s3;
	s0 =	sld [smem:$0x3F9A]  }
0x30: {  	s3 =	sld [smem:$0x3F9D]  }
0x31: {  	[smem:$0x3FA6] =	sst s10  }
0x32: {  	s10 =	sld [smem:$0x3FA4];
	_ =	sdelay $0x3  }
0x33: {  	p0 =	seq.s32 s10, $0x1;
	s10 =	sld [smem:$0x3FA6];
	_ =	sdelay $0x3  }
0x34: {  	[smem:$0x3FA6] =	sst s10  }
0x35: {  	s10 =	sld [smem:$0x3FA5];
	_ =	sdelay $0x3  }
0x36: {  	p1 =	seq.s32 s10, $0x1;
	s10 =	sld [smem:$0x3FA6];
	_ =	sdelay $0x3  }
0x37: {  	[smem:$0x3FA6] =	sst s10  }
0x38: {  	s10 =	sld [smem:$0x3FA7]  }
0x39: {  	_ = 	snop;
	(pc) =	sbr.ind lr, $3  }
0x3a: {  	_ = 	snop  }
0x3b: {  	_ = 	snop  }
0x3c: {  	p2 =	seq.s32 s10, $0x1;
	s10 =	sld [smem:$0x3FA6]  }
0x3d: {  	_ =	shalt  }
0x3e: {  	_ =	shalt  }
0x3f: {  	_ =	shalt  }
0x40: {  	_ =	shalt  }
0x41: {  	_ =	shalt  }
0x42: {  	_ =	shalt  }
0x43: {  	_ =	shalt  }
0x44: {  	_ =	shalt  }
0x45: {  	_ =	shalt  }
0x46: {  	_ =	shalt  }
0x47: {  	_ =	shalt  }
0x48: {  	_ =	shalt  }
0x49: {  	_ =	shalt  }
0x4a: {  	_ =	shalt  }
0x4b: {  	_ =	shalt  }
0x4c: {  	_ =	shalt  }
0x4d: {  	_ =	shalt  }
0x4e: {  	_ =	shalt  }
0x4f: {  	_ =	shalt  }
0x50: {  	_ =	shalt  }
0x51: {  	_ =	shalt  }
0x52: {  	_ =	shalt  }
0x53: {  	_ =	shalt  }
0x54: {  	_ =	shalt  }
0x55: {  	_ =	shalt  }
0x56: {  	_ =	shalt  }
0x57: {  	_ =	shalt  }
0x58: {  	_ =	shalt  }
0x59: {  	_ =	shalt  }
0x5a: {  	_ =	shalt  }
0x5b: {  	_ =	shalt  }
0x5c: {  	_ =	shalt  }
0x5d: {  	_ =	shalt  }
0x5e: {  	_ =	shalt  }
0x5f: {  	_ =	shalt  }
0x60: {  	_ =	shalt  }
0x61: {  	_ =	shalt  }
0x62: {  	_ =	shalt  }
0x63: {  	_ =	shalt  }
0x64: {  	_ =	shalt  }
0x65: {  	_ =	shalt  }
0x66: {  	_ =	shalt  }
0x67: {  	_ =	shalt  }
0x68: {  	_ =	shalt  }
0x69: {  	_ =	shalt  }
0x6a: {  	_ =	shalt  }
0x6b: {  	_ =	shalt  }
0x6c: {  	_ =	shalt  }
0x6d: {  	_ =	shalt  }
0x6e: {  	_ =	shalt  }
0x6f: {  	_ =	shalt  }
0x70: {  	_ =	shalt  }
0x71: {  	_ =	shalt  }
0x72: {  	_ =	shalt  }
0x73: {  	_ =	shalt  }
0x74: {  	_ =	shalt  }
0x75: {  	_ =	shalt  }
0x76: {  	_ =	shalt  }
0x77: {  	_ =	shalt  }
0x78: {  	_ =	shalt  }
0x79: {  	_ =	shalt  }
0x7a: {  	_ =	shalt  }
0x7b: {  	_ =	shalt  }
0x7c: {  	_ =	shalt  }
0x7d: {  	_ =	shalt  }
0x7e: {  	_ =	shalt  }
0x7f: {  	_ =	shalt  }
0x80: {  	_ =	shalt  }
0x81: {  	_ =	shalt  }
0x82: {  	_ =	shalt  }
0x83: {  	_ =	shalt  }
0x84: {  	_ =	shalt  }
0x85: {  	_ =	shalt  }
0x86: {  	_ =	shalt  }
0x87: {  	_ =	shalt  }
.Lfunc_end0:
.L_simem_size_0:
called_computation_lowered:
.L_overlay_start_0:
0x88: {  	s2 =	sld [smem:$0x3FD9]  }
0x89: {  	s3 =	sld [smem:$0x3FFE];
	_ =	sdelay $0x1  }
0x8a: {  	s1 =	srdreg.scid  }
0x8b: {  	s0 =	sand.u32 $0x1, s1  }
0x8c: {  	s17 =	sshll.u32 s0, $0xA;
	s2 =	sadd.s32 s3, s2  }
0x8d: {  	s2 =	sadd.s32 s2, s17  }
0x8e: {  	[smem:$0x3FB2] =	sst s2  }
0x8f: {  	_ = 	snop  }
0x90: {  	s2 =	sld [smem:$0x3FC9]  }
0x91: {  	s18 =	sld [smem:$0x3FC8];
	(tm) =	ssettm $0x1  }
0x92: {  	s4 =	sld [smem:$0x3FFB];
	_ =	sdelay $0x3  }
0x93: {  	_ =	strace s4  }
0x94: {  	s4 =	sld [smem:$0x3FFC];
	_ =	sdelay $0x3  }
0x95: {  	_ =	strace s4  }
0x96: {  	s4 =	sld [smem:$0x3FFD];
	_ =	sdelay $0x3  }
0x97: {  	_ =	strace s4  }
0x98: {  	_ =	strace $0x8FFFFFFF  }
0x99: {  	s19 =	sld [smem:$0x3FDB];
	_ =	sdelay $0x1  }
0x9a: {  	s5 =	simm.s32 $_scs_section_size  }
0x9b: {  	s6 =	simm.s32 $_size__tile_overlayer_lowered;
	s7 =	simm.s32 $_tile_overlayer_lowered  }
0x9c: {  	s22 =	simm.s32 $0x1BFF;
	s21 =	sshll.u32 s7, $0x1;
	s4 =	sadd.s32 s5, s19  }
0x9d: {  	s8 =	simm.s32 $0x0;
	s20 =	sshll.u32 s6, $0x1;
	s6 =	sadd.s32 s21, s4  }
0x9e: {  	[timem:s8], [sflag:s22] =	dma.local [hbm:s6], s20  }
0x9f: {  	_ =	swait.ge [sflag:s22], s20  }
0xa0: {  	s5 =	ssub.s32 $0x0, s20;
	[sflag:s22] =	ssyncset.done $0x0  }
0xa1: {  	[sflag:s22] =	ssyncadd.s32 s5;
	_ =	sdelay $0x1  }
0xa2: {  	s23 =	simm.s32 $0x1B8B  }
0xa3: {  	_ =	swait.ge [sflag:s23], $0x1  }
0xa4: {  	[sflag:s23] =	ssyncset.done $0x0  }
0xa5: {  	s25 =	simm.s32 $0x1B8E;
	s24 =	sld [smem:$0x3FFE];
	[sflag:s23] =	ssyncadd.s32 $0xFFFFFFFF  }
0xa6: {  	s26 =	simm.s32 $execute0_lowered;
	[smem:$0x3FD2] =	sst s25  }
0xa7: {  	s6 =	sshll.u32 s26, $0x1;
	_ =	strace $0x80000046;
	[dreg:$0x1] =	wrdreg $0xFFFFFFFF  }
0xa8: {  	s28 =	simm.s32 $_size_execute0_lowered;
	s4 =	sadd.s32 s4, s6;
	[dreg:$0x0] =	wrdreg $0x0  }
0xa9: {  	s6 =	sshll.u32 s28, $0x1;
	[dreg:$0x2] =	wrdreg s4  }
0xaa: {  	[dreg:$0x3] =	wrdreg s6  }
0xab: {  	[dreg:$0x4] =	wrdreg $0xC0  }
0xac: {  	_ =	task [dreg:s8], $0x5FFFF  }
0xad: {  	[dreg:$0x1] =	wrdreg $0xFFFFFFFF  }
0xae: {  	[dreg:$0x0] =	wrdreg $0x60  }
0xaf: {  	[dreg:$0x2] =	wrdreg s2  }
0xb0: {  	[dreg:$0x3] =	wrdreg s18  }
0xb1: {  	[dreg:$0x4] =	wrdreg s24  }
0xb2: {  	[dreg:$0x5] =	wrdreg $0x9  }
0xb3: {  	_ =	task.clear_ibuf [dreg:s8], $0x6FFFF;
	_ =	strace $0x90000046  }
0xb4: {  	s29 =	simm.s32 $0x9;
	_ =	strace $0x80000048  }
0xb5: {  	_ =	swait.ge [sflag:s29], $0x1  }
0xb6: {  	[sflag:s29] =	ssyncadd.s32 $0xFFFFFFFF  }
0xb7: {  	_ =	strace $0x90000048  }
0xb8: {  	_ =	sfence  }
0xb9: {  	s30 =	sld [smem:$0x0];
	_ =	sdelay $0x2  }
0xba: {  	s31 =	sshll.u32 s1, $0xD;
	s1 =	sshrl.u32 s1, $0x2  }
0xbb: {  	s3 =	sand.u32 $0x4000, s31;
	s1 =	sadd.s32 s1, s30  }
0xbc: {  	s0 =	sor.u32 s3, s0;
	s1 =	sshll.u32 s1, $0x11  }
0xbd: {  	s0 =	sor.u32 s1, s0  }
0xbe: {  	s0 =	sadd.s32 $0x8F2B, s0  }
0xbf: {  	[sflag:s0] =	ssyncadd.remote.s32 $0x1  }
0xc0: {  	_ =	sfence.sel $0xFFFF  }
0xc1: {  	[dreg:$0x0] =	wrdreg $0xFFFFFFFF;
	(pc) =	sbr.abs _section_cstart, $3  }
0xc2: {  	[dreg:$0x1] =	wrdreg $0xFFFFFFFF  }
0xc3: {  	_ =	task.clear_ibuf [dreg:s8], $0x2FFFF;
	_ =	strace $0x9FFFFFFF  }
0xc4: {  	(tm) =	ssettm $0x7FFFFFFF  }
0xc5: {  	_ =	shalt  }
tec
execute0_lowered:
.L_overlay_start_1:
0x0: {  	(tag) =	ssettag $0x1  }
0x1: {  	s4 =	rddreg [dreg:$0x0]  }
0x2: {  	s1 =	rddreg [dreg:$0x1]  }
0x3: {  	s5 =	rddreg [dreg:$0x2];
	s2 =	srdreg.scid  }
0x4: {  	s0 =	stileid.u32;
	s3 =	simm.s32 $0x0;
	s11 =	simm.s32 $0x8000  }
0x5: {  	s12 =	simm.s32 $0x800;
	s13 =	simm.s32 $0x1;
	s14 =	simm.s32 $0x0  }
0x6: {  	s6 =	sand.u32 $0x1, s2;
	s7 =	sshrl.u32 s0, $0x2;
	s2 =	rddreg [dreg:$0x3]  }
0x7: {  	s26 =	sshll.u32 s0, $0x8;
	[smem:$0x7FF] =	sst s3;
	s8 =	sshll.u32 s6, $0x7  }
0x8: {  	s9 =	sand.u32 $0x300, s26;
	s10 =	smul.u32 $0x3C000, s7;
	_ =	strace $0x80000047  }
0x9: {  	v1 =	vlaneseq.u32;
	v0 =	vimm.s32 $0x0;
	vm0 =	vmmov $0xff;
	s28 =	sshll.u32 s7, $0xD;
	s6 =	ssub.s32 $0x2, s6;
	s8 =	sor.u32 s8, s9  }
0xa: {  	v2 =	vimm.f32 $0.0e+00;
	v3 =	vimm.f32 $1.000000000e+00;
	vm1 =	vcmask $0x704;
	s7 =	sshll.u32 s7, $0xE;
	s30 =	sshrl.u32 s6, $0x1;
	s9 =	sor.u32 s10, s8  }
0xb: {  	vm2 =	vcmask $0xB08;
	vm3 =	vcmask $0xF0C;
	vm15 =	vcmask $0x3F3C;
	s10 =	sor.u32 s28, s8;
	s7 =	sor.u32 s7, s8;
	s31 =	ssub.s32 s6, s30  }
0xc: {  	vm4 =	vcmask $0x1310;
	vm5 =	vcmask $0x1714;
	vm6 =	vcmask $0x1B18;
	s8 =	simm.s32 $0x80;
	s9 =	sshrl.u32 s9, $0x3;
	s10 =	sshrl.u32 s10, $0x3  }
0xd: {  	vm7 =	vcmask $0x1F1C;
	vm8 =	vcmask $0x2320;
	vm9 =	vcmask $0x2724;
	s7 =	sshrl.u32 s7, $0x3;
	s9 =	sadd.s32 s9, s5;
	s29 =	sadd.s32 s10, s5  }
0xe: {  	vm10 =	vcmask $0x2B28;
	vm11 =	vcmask $0x2F2C;
	vm12 =	vcmask $0x3330;
	s4 =	sadd.s32 s4, s7;
	s7 =	smax.u32 s31, $0x1;
	s10 =	simm.s32 $0x2  }
0xf: {  	vm13 =	vcmask $0x3734;
	vm14 =	vcmask $0x3B38;
	v1 =	vmul.u32 $0x8, v1;
	s5 =	sadd.s32 $0x3200, s9;
	s6 =	sadd.s32 $0x21200, s29;
	s9 =	simm.s32 $0x400  }
.LBB2_1:
0x10: {  	[tilespmem:s3], [sflag:$0x2] =	stream.strided.gather [hbm4b:s4+s8], $0x800, s9, s8, $0x38;
	[tilespmem:$0x8400] =	vst v63  }
0x11: {  	_ =	swait.ge [sflag:s10], $0x800  }
0x12: {  	[sflag:s10] =	ssyncset.done $0x0  }
0x13: {  	[sflag:s10] =	ssyncadd.s32 $0xFFFFF800  }
0x14: {  	v4 =	vld.msk [tilespmem:$0x0], $0x1;
	_ =	sdelay $0x4  }
0x15: {  	v5 =	vshll.u32 v4, $0x3  }
0x16: {  	v4 =	vand.u32 $0x7, v4;
	v5 =	vand.u32 $0xFFFFFFC0, v5  }
0x17: {  	v4 =	vor.u32 v4, v5  }
0x18: {  	v4 =	vperm.xlane v4, v0;
	_ =	sdelay $0x1  }
0x19: {  	v4 =	vadd.s32 v1, v4;
	_ =	sdelay $0x3  }
0x1a: {  	s15 =	simm.s32 $0x0  }
0x1b: {  	[tilespmem:s11], [sflag:$0x1] =	stream.indirect_vreg.gather [hbm4b:s1+s3], $0x80, v4, vm0, $0xb8;
	[tilespmem:$0x8400] =	vst v63  }
.LBB2_2:
0x1c: {  	p0 =	sne.s32 s15, $0x1DFC0  }
.Ltmp0:
0x1d: {  	_ = 	snop;
	(pc) =	sbr.rel @p0 .LBB2_2-.Ltmp0, $3  }
0x1e: {  	_ =	sdelay $0x1  }
0x1f: {  	s16 =	sshra.s32 s15, $0x2  }
0x20: {  	s15 =	sadd.s32 $0x40, s15;
	[tilespmem:s16+$0x800] =	vst v2  }
0x21: {  	s15 =	simm.s32 $0x0  }
0x22: {  	v4 =	vld [tilespmem:s15+$0x0];
	_ =	sdelay $0x7  }
0x23: {  	[tilespmem:v4+s12+$0x0] =	vst.idx.add.f32.msk $0x1, v3  }
0x24: {  	[tilespmem:v4+s12+$0x0] =	vst.idx.add.f32.msk vm1, v3  }
0x25: {  	[tilespmem:v4+s12+$0x0] =	vst.idx.add.f32.msk vm2, v3  }
0x26: {  	[tilespmem:v4+s12+$0x0] =	vst.idx.add.f32.msk vm3, v3  }
0x27: {  	[tilespmem:v4+s12+$0x0] =	vst.idx.add.f32.msk vm4, v3  }
0x28: {  	[tilespmem:v4+s12+$0x0] =	vst.idx.add.f32.msk vm5, v3  }
0x29: {  	[tilespmem:v4+s12+$0x0] =	vst.idx.add.f32.msk vm6, v3  }
0x2a: {  	[tilespmem:v4+s12+$0x0] =	vst.idx.add.f32.msk vm7, v3  }
0x2b: {  	[tilespmem:v4+s12+$0x0] =	vst.idx.add.f32.msk vm8, v3  }
0x2c: {  	[tilespmem:v4+s12+$0x0] =	vst.idx.add.f32.msk vm9, v3  }
0x2d: {  	[tilespmem:v4+s12+$0x0] =	vst.idx.add.f32.msk vm10, v3  }
0x2e: {  	[tilespmem:v4+s12+$0x0] =	vst.idx.add.f32.msk vm11, v3  }
0x2f: {  	[tilespmem:v4+s12+$0x0] =	vst.idx.add.f32.msk vm12, v3  }
0x30: {  	[tilespmem:v4+s12+$0x0] =	vst.idx.add.f32.msk vm13, v3  }
0x31: {  	s16 =	simm.s32 $0x80;
	s15 =	simm.s32 $0x40;
	[tilespmem:v4+s12+$0x0] =	vst.idx.add.f32.msk vm14, v3  }
.LBB2_4:
0x32: {  	p0 =	sne.s32 s16, $0x1FC0  }
0x33: {  	s17 =	sshra.s32 s15, $0x2;
	[tilespmem:v4+s12+$0x0] =	vst.idx.add.f32.msk vm15, v3;
	s15 =	smov.u32 s16;
	s16 =	sadd.s32 $0x40, s16  }
0x34: {  	v4 =	vld [tilespmem:s17+$0x0];
	_ =	sdelay $0x7  }
0x35: {  	[tilespmem:v4+s12+$0x0] =	vst.idx.add.f32.msk $0x1, v3  }
0x36: {  	[tilespmem:v4+s12+$0x0] =	vst.idx.add.f32.msk vm1, v3  }
0x37: {  	[tilespmem:v4+s12+$0x0] =	vst.idx.add.f32.msk vm2, v3  }
0x38: {  	[tilespmem:v4+s12+$0x0] =	vst.idx.add.f32.msk vm3, v3  }
0x39: {  	[tilespmem:v4+s12+$0x0] =	vst.idx.add.f32.msk vm4, v3  }
0x3a: {  	[tilespmem:v4+s12+$0x0] =	vst.idx.add.f32.msk vm5, v3  }
0x3b: {  	[tilespmem:v4+s12+$0x0] =	vst.idx.add.f32.msk vm6, v3  }
0x3c: {  	[tilespmem:v4+s12+$0x0] =	vst.idx.add.f32.msk vm7, v3  }
0x3d: {  	[tilespmem:v4+s12+$0x0] =	vst.idx.add.f32.msk vm8, v3  }
0x3e: {  	[tilespmem:v4+s12+$0x0] =	vst.idx.add.f32.msk vm9, v3  }
.Ltmp1:
0x3f: {  	[tilespmem:v4+s12+$0x0] =	vst.idx.add.f32.msk vm10, v3;
	(pc) =	sbr.rel @p0 .LBB2_4-.Ltmp1, $4  }
0x40: {  	[tilespmem:v4+s12+$0x0] =	vst.idx.add.f32.msk vm11, v3  }
0x41: {  	[tilespmem:v4+s12+$0x0] =	vst.idx.add.f32.msk vm12, v3  }
0x42: {  	[tilespmem:v4+s12+$0x0] =	vst.idx.add.f32.msk vm13, v3  }
0x43: {  	[tilespmem:v4+s12+$0x0] =	vst.idx.add.f32.msk vm14, v3  }
0x44: {  	_ =	sdelay $0x4  }
0x45: {  	s15 =	sshra.s32 s15, $0x2;
	[tilespmem:v4+s12+$0x0] =	vst.idx.add.f32.msk vm15, v3  }
0x46: {  	v4 =	vld [tilespmem:s15+$0x0];
	_ =	sdelay $0x7  }
0x47: {  	[tilespmem:v4+s12+$0x0] =	vst.idx.add.f32.msk $0x1, v3  }
0x48: {  	[tilespmem:v4+s12+$0x0] =	vst.idx.add.f32.msk vm1, v3  }
0x49: {  	[tilespmem:v4+s12+$0x0] =	vst.idx.add.f32.msk vm2, v3  }
0x4a: {  	[tilespmem:v4+s12+$0x0] =	vst.idx.add.f32.msk vm3, v3  }
0x4b: {  	[tilespmem:v4+s12+$0x0] =	vst.idx.add.f32.msk vm4, v3  }
0x4c: {  	[tilespmem:v4+s12+$0x0] =	vst.idx.add.f32.msk vm5, v3  }
0x4d: {  	[tilespmem:v4+s12+$0x0] =	vst.idx.add.f32.msk vm6, v3  }
0x4e: {  	[tilespmem:v4+s12+$0x0] =	vst.idx.add.f32.msk vm7, v3  }
0x4f: {  	[tilespmem:v4+s12+$0x0] =	vst.idx.add.f32.msk vm8, v3  }
0x50: {  	[tilespmem:v4+s12+$0x0] =	vst.idx.add.f32.msk vm9, v3  }
0x51: {  	[tilespmem:v4+s12+$0x0] =	vst.idx.add.f32.msk vm10, v3  }
0x52: {  	[tilespmem:v4+s12+$0x0] =	vst.idx.add.f32.msk vm11, v3  }
0x53: {  	[tilespmem:v4+s12+$0x0] =	vst.idx.add.f32.msk vm12, v3  }
0x54: {  	[tilespmem:v4+s12+$0x0] =	vst.idx.add.f32.msk vm13, v3  }
0x55: {  	[tilespmem:v4+s12+$0x0] =	vst.idx.add.f32.msk vm14, v3  }
0x56: {  	[tilespmem:v4+s12+$0x0] =	vst.idx.add.f32.msk vm15, v3  }
0x57: {  	[hbm4b:s5+s8] =	stream.strided.scatter [tilespmem:s12], [sflag:$0x2], $0x7800, s9, s8, $0x38;
	[tilespmem:$0x8400] =	vst v63  }
0x58: {  	_ =	swait.ge [sflag:s10], $0x7800  }
0x59: {  	[sflag:s10] =	ssyncset.done $0x0  }
0x5a: {  	[sflag:s10] =	ssyncadd.s32 $0xFFFF8800  }
0x5b: {  	s14 =	sadd.s32 $0x1, s14;
	_ =	swait.ge [sflag:s13], $0x400  }
0x5c: {  	p0 =	sne.s32 s14, s7;
	[sflag:s13] =	ssyncset.done $0x0  }
.Ltmp2:
0x5d: {  	[sflag:s13] =	ssyncadd.s32 $0xFFFFFC00;
	(pc) =	sbr.rel @p0 .LBB2_1-.Ltmp2, $4  }
0x5e: {  	[hbm4b:s6+s8] =	stream.strided.scatter [tilespmem:s11], [sflag:$0x2], $0x400, s9, s8, $0x38;
	[tilespmem:$0x8400] =	vst v63  }
0x5f: {  	_ =	swait.ge [sflag:s10], $0x400  }
0x60: {  	[sflag:s10] =	ssyncset.done $0x0  }
0x61: {  	[sflag:s10] =	ssyncadd.s32 $0xFFFFFC00  }
0x62: {  	_ =	sfence.sel $0x180000  }
0x63: {  	[bflag:$0x0] =	sbarrier.arrive $0xFFFF  }
0x64: {  	p0 =	sne.s32 s0, $0x0;
	_ =	strace $0x90000047  }
0x65: {  	s0 =	sadd.s32 @!p0 $0x100000, s2;
	[bflag:$0x2] =	sbarrier.arrive $0xFFFF  }
0x66: {  	[sflag:s0] =	ssyncadd.tile.s32 @!p0 $0x1;
	_ =	shalt  }
.Lfunc_end2:
_tile_overlayer_lowered:
.L_overlay_start_2:
0x67: {  	(tag) =	ssettag $0x2  }
0x68: {  	s0 =	rddreg [dreg:$0x0];
	s2 =	stileid.u32  }
0x69: {  	s1 =	rddreg [dreg:$0x1];
	p0 =	sne.s32 s2, $0x0  }
0x6a: {  	s3 =	rddreg [dreg:$0x2];
	[bflag:$0x3] =	sbarrier.arrive $0xFFFF;
	s2 =	simm.s32 @!p0 $0x1C02  }
0x6b: {  	[timem:s3], [sflag:s2] =	dma.local @!p0 [hbm:s0], s1  }
0x6c: {  	s0 =	simm.s32 @!p0 $0x2  }
0x6d: {  	_ =	swait.ge @!p0 [sflag:s0], s1  }
0x6e: {  	s1 =	ssub.s32 @!p0 $0x0, s1;
	[sflag:s0] =	ssyncset.done @!p0 $0x0  }
0x6f: {  	[sflag:s0] =	ssyncadd.s32 @!p0 s1  }
0x70: {  	[bflag:$0x3] =	sbarrier.arrive $0xFFFF  }
0x71: {  	_ =	shalt  }

</sc_bundles>
